<compile_context>
chip_gen: v7x
topology: tpu7x:2x2x1
jax: 0.10.2.dev20260603
libtpu: 0.0.44.dev20260713+nightly
codegen_flags: <defaults>
</compile_context>

<pallas_src>
import functools

import jax
import jax.numpy as jnp
from jax import lax
from jax.experimental import pallas as pl
from jax.experimental.pallas import tpu as pltpu
from jax.experimental.pallas import tpu_sc as plsc

_N = 100000
_D = 128

_SC_BASE = 75000
_SC_ROWS = _N - _SC_BASE
_NC = 2
_NS = 16
_NW = _NC * _NS
_CHUNK = 200
_NCHUNK = _SC_ROWS // _CHUNK
_FULL = _NCHUNK // _NW
_EXTRA = _NCHUNK - _FULL * _NW

_TC_BLOCK = 25000


def _sc_body(feat, w0_hbm, w1_hbm, out, bufs, w0v, w1v, sems):
    wid = lax.axis_index("s") * _NC + lax.axis_index("c")

    pltpu.sync_copy(w0_hbm, w0v)
    pltpu.sync_copy(w1_hbm, w1v)
    w0r = [w0v[pl.ds(j * 16, 16)] for j in range(8)]
    w1r = [w1v[pl.ds(j * 16, 16)] for j in range(8)]

    def src_base(k):
        return _SC_BASE + (k * _NW + wid) * _CHUNK

    def dst_base(k):
        return (k * _NW + wid) * _CHUNK

    def start_in(slot, row):
        pltpu.make_async_copy(
            feat.at[pl.ds(row, _CHUNK)], bufs.at[slot], sems.at[slot]).start()

    def wait_in(slot, row):
        pltpu.make_async_copy(
            feat.at[pl.ds(row, _CHUNK)], bufs.at[slot], sems.at[slot]).wait()

    def start_out(slot, row):
        pltpu.make_async_copy(
            bufs.at[slot], out.at[pl.ds(row, _CHUNK)],
            sems.at[2 + slot]).start()

    def wait_out(slot, row):
        pltpu.make_async_copy(
            bufs.at[slot], out.at[pl.ds(row, _CHUNK)],
            sems.at[2 + slot]).wait()

    def compute(slot):
        def row_body(i, carry):
            for j in range(8):
                sl = pl.ds(j * 16, 16)
                x = bufs[slot, i, sl]
                bufs[slot, i, sl] = jnp.maximum(x * w0r[j], 0.0) * w1r[j]
            return carry
        lax.fori_loop(0, _CHUNK, row_body, 0)

    start_in(0, src_base(0))
    start_in(1, src_base(1))
    for k in range(_FULL):
        slot = k % 2
        wait_in(slot, src_base(k))
        compute(slot)
        start_out(slot, dst_base(k))
        if k + 2 < _FULL:
            wait_out(slot, dst_base(k))
            start_in(slot, src_base(k + 2))

    wait_out(_FULL % 2, dst_base(_FULL - 1))
    wait_out((_FULL - 1) % 2, dst_base(_FULL - 2))

    @pl.when(wid < _EXTRA)
    def _():
        srow = _SC_BASE + (_FULL * _NW + wid) * _CHUNK
        drow = (_FULL * _NW + wid) * _CHUNK
        start_in(0, srow)
        wait_in(0, srow)
        compute(0)
        start_out(0, drow)
        wait_out(0, drow)


def _sc_rows(features, w0, w1):
    mesh = plsc.VectorSubcoreMesh(core_axis_name="c", subcore_axis_name="s")
    sc_call = functools.partial(
        pl.kernel,
        mesh=mesh,
        out_type=jax.ShapeDtypeStruct((_SC_ROWS, _D), jnp.float32),
        scratch_types=[
            pltpu.VMEM((2, _CHUNK, _D), jnp.float32),
            pltpu.VMEM((_D,), jnp.float32),
            pltpu.VMEM((_D,), jnp.float32),
            pltpu.SemaphoreType.DMA((4,)),
        ],
    )(_sc_body)
    return sc_call(features, w0, w1)


def _tc_kernel(x_ref, w0_ref, w1_ref, o_ref):
    o_ref[...] = jnp.maximum(x_ref[...] * w0_ref[...], 0.0) * w1_ref[...]


def _tc_rows(features, w0, w1):
    n, d = features.shape
    return pl.pallas_call(
        _tc_kernel,
        grid=(_SC_BASE // _TC_BLOCK,),
        in_specs=[
            pl.BlockSpec((_TC_BLOCK, d), lambda i: (i, 0)),
            pl.BlockSpec((1, d), lambda i: (0, 0)),
            pl.BlockSpec((1, d), lambda i: (0, 0)),
        ],
        out_specs=pl.BlockSpec((_TC_BLOCK, d), lambda i: (i, 0)),
        out_shape=jax.ShapeDtypeStruct((n, d), features.dtype),
        compiler_params=pltpu.CompilerParams(
            vmem_limit_bytes=60 * 1024 * 1024,
        ),
    )(features, w0.reshape(1, d), w1.reshape(1, d))


def kernel(features, w0, w1):
    sc_out = _sc_rows(features, w0, w1)
    tc_out = _tc_rows(features, w0, w1)
    return lax.dynamic_update_slice(tc_out, sc_out, (_SC_BASE, 0))

# --- scband reference (transcript-rebuilt; emitter-appended) ---
"""Pipeline reference for scband-att-learner-55937654063431 (READ-ONLY COPY).

The authoritative reference and input builder live on the scoring server;
editing this copy changes nothing except your own understanding.
"""

import jax, jax.numpy as jnp
import numpy as np

# ATT_learner.forward: stack of Attentive layers. Attentive(isize) holds a learnable
# vector w of shape [isize] and computes x @ diag(w), i.e. elementwise column scaling.
# ReLU is applied between layers (act='relu'), but not after the last layer.

NLAYERS = 2
N_NODES = 100000
ISIZE = 128

def setup_inputs(seed: int = 0) -> dict:
    key = jax.random.key(seed)
    k1 = jax.random.fold_in(key, 1)
    features = jax.random.normal(k1, (N_NODES, ISIZE), dtype=jnp.float32)
    # Attentive layers initialize w = ones(isize)
    w0 = jnp.ones((ISIZE,), dtype=jnp.float32)
    w1 = jnp.ones((ISIZE,), dtype=jnp.float32)
    return {"features": features, "w0": w0, "w1": w1}

def reference(features, w0, w1):
    ws = [w0, w1]
    h = features
    for i in range(NLAYERS):
        # x @ torch.diag(w) == x * w (broadcast over rows)
        h = h * ws[i]
        if i != NLAYERS - 1:
            h = jax.nn.relu(h)  # act == 'relu'
    return h

if __name__ == "__main__":
    import jax
    _d = setup_inputs()
    print(jax.jit(kernel)(*tuple(_d.values())))

</pallas_src>

<mosaic_0001>
#map = affine_map<(d0, d1) -> (0, 0)>
#map1 = affine_map<(d0, d1) -> (0)>
module attributes {stable_mosaic.version = 14 : i64} {
  func.func @_sc_body(%arg0: i32, %arg1: i32, %arg2: memref<100000x128xf32, #tpu.memory_space<hbm>>, %arg3: memref<128xf32, #tpu.memory_space<hbm>>, %arg4: memref<128xf32, #tpu.memory_space<hbm>>, %arg5: memref<25000x128xf32, #tpu.memory_space<hbm>>, %arg6: memref<2x200x128xf32, #tpu.memory_space<vmem>>, %arg7: memref<128xf32, #tpu.memory_space<vmem>>, %arg8: memref<128xf32, #tpu.memory_space<vmem>>, %arg9: memref<4x!tpu.dma_semaphore, #tpu.memory_space<semaphore_mem>>) attributes {dimension_semantics = [#tpu.dimension_semantics<core_parallel>, #tpu.dimension_semantics<subcore_parallel>], iteration_bounds = array<i64: 2, 16>, scalar_prefetch = 0 : i64, scratch_operands = 4 : i64, tpu.core_type = #tpu.core_type<sc_vector_subcore>, window_params = [{transform_indices = #map}, {transform_indices = #map1}, {transform_indices = #map1}, {transform_indices = #map}]} {
    %mul3A = arith.constant 2 : i32
    %mul3A_0 = arith.muli %arg1, %mul3A : i32
    %add3A = arith.addi %mul3A_0, %arg0 : i32
    "tpu.region"() ({
      %run_scoped3A = tpu.sem_alloc : memref<!tpu.dma_semaphore, #tpu.memory_space<semaphore_mem>>
      tpu.enqueue_dma source(%arg3 : memref<128xf32, #tpu.memory_space<hbm>>) target(%arg7 : memref<128xf32, #tpu.memory_space<vmem>>) target_semaphore(%run_scoped3A : memref<!tpu.dma_semaphore, #tpu.memory_space<semaphore_mem>>)
      tpu.wait_dma2 semaphore(%run_scoped3A : memref<!tpu.dma_semaphore, #tpu.memory_space<semaphore_mem>>) src(%arg3 : memref<128xf32, #tpu.memory_space<hbm>>) dst(%arg7 : memref<128xf32, #tpu.memory_space<vmem>>)
      tpu.yield
    }) : () -> ()
    "tpu.region"() ({
      %run_scoped3A = tpu.sem_alloc : memref<!tpu.dma_semaphore, #tpu.memory_space<semaphore_mem>>
      tpu.enqueue_dma source(%arg4 : memref<128xf32, #tpu.memory_space<hbm>>) target(%arg8 : memref<128xf32, #tpu.memory_space<vmem>>) target_semaphore(%run_scoped3A : memref<!tpu.dma_semaphore, #tpu.memory_space<semaphore_mem>>)
      tpu.wait_dma2 semaphore(%run_scoped3A : memref<!tpu.dma_semaphore, #tpu.memory_space<semaphore_mem>>) src(%arg4 : memref<128xf32, #tpu.memory_space<hbm>>) dst(%arg8 : memref<128xf32, #tpu.memory_space<vmem>>)
      tpu.yield
    }) : () -> ()
    %get3A = arith.constant 0 : index
    %get3A_1 = tpu.vector_load %arg7[%get3A] {strides = array<i32>} : memref<128xf32, #tpu.memory_space<vmem>>, vector<16xf32>,
    %get3A_2 = vector.shape_cast %get3A_1 : vector<16xf32> to vector<16xf32>
    %get3A_3 = arith.constant 16 : index
    %get3A_4 = tpu.vector_load %arg7[%get3A_3] {strides = array<i32>} : memref<128xf32, #tpu.memory_space<vmem>>, vector<16xf32>,
    %get3A_5 = vector.shape_cast %get3A_4 : vector<16xf32> to vector<16xf32>
    %get3A_6 = arith.constant 32 : index
    %get3A_7 = tpu.vector_load %arg7[%get3A_6] {strides = array<i32>} : memref<128xf32, #tpu.memory_space<vmem>>, vector<16xf32>,
    %get3A_8 = vector.shape_cast %get3A_7 : vector<16xf32> to vector<16xf32>
    %get3A_9 = arith.constant 48 : index
    %get3A_10 = tpu.vector_load %arg7[%get3A_9] {strides = array<i32>} : memref<128xf32, #tpu.memory_space<vmem>>, vector<16xf32>,
    %get3A_11 = vector.shape_cast %get3A_10 : vector<16xf32> to vector<16xf32>
    %get3A_12 = arith.constant 64 : index
    %get3A_13 = tpu.vector_load %arg7[%get3A_12] {strides = array<i32>} : memref<128xf32, #tpu.memory_space<vmem>>, vector<16xf32>,
    %get3A_14 = vector.shape_cast %get3A_13 : vector<16xf32> to vector<16xf32>
    %get3A_15 = arith.constant 80 : index
    %get3A_16 = tpu.vector_load %arg7[%get3A_15] {strides = array<i32>} : memref<128xf32, #tpu.memory_space<vmem>>, vector<16xf32>,
    %get3A_17 = vector.shape_cast %get3A_16 : vector<16xf32> to vector<16xf32>
    %get3A_18 = arith.constant 96 : index
    %get3A_19 = tpu.vector_load %arg7[%get3A_18] {strides = array<i32>} : memref<128xf32, #tpu.memory_space<vmem>>, vector<16xf32>,
    %get3A_20 = vector.shape_cast %get3A_19 : vector<16xf32> to vector<16xf32>
    %get3A_21 = arith.constant 112 : index
    %get3A_22 = tpu.vector_load %arg7[%get3A_21] {strides = array<i32>} : memref<128xf32, #tpu.memory_space<vmem>>, vector<16xf32>,
    %get3A_23 = vector.shape_cast %get3A_22 : vector<16xf32> to vector<16xf32>
    %get3A_24 = arith.constant 0 : index
    %get3A_25 = tpu.vector_load %arg8[%get3A_24] {strides = array<i32>} : memref<128xf32, #tpu.memory_space<vmem>>, vector<16xf32>,
    %get3A_26 = vector.shape_cast %get3A_25 : vector<16xf32> to vector<16xf32>
    %get3A_27 = arith.constant 16 : index
    %get3A_28 = tpu.vector_load %arg8[%get3A_27] {strides = array<i32>} : memref<128xf32, #tpu.memory_space<vmem>>, vector<16xf32>,
    %get3A_29 = vector.shape_cast %get3A_28 : vector<16xf32> to vector<16xf32>
    %get3A_30 = arith.constant 32 : index
    %get3A_31 = tpu.vector_load %arg8[%get3A_30] {strides = array<i32>} : memref<128xf32, #tpu.memory_space<vmem>>, vector<16xf32>,
    %get3A_32 = vector.shape_cast %get3A_31 : vector<16xf32> to vector<16xf32>
    %get3A_33 = arith.constant 48 : index
    %get3A_34 = tpu.vector_load %arg8[%get3A_33] {strides = array<i32>} : memref<128xf32, #tpu.memory_space<vmem>>, vector<16xf32>,
    %get3A_35 = vector.shape_cast %get3A_34 : vector<16xf32> to vector<16xf32>
    %get3A_36 = arith.constant 64 : index
    %get3A_37 = tpu.vector_load %arg8[%get3A_36] {strides = array<i32>} : memref<128xf32, #tpu.memory_space<vmem>>, vector<16xf32>,
    %get3A_38 = vector.shape_cast %get3A_37 : vector<16xf32> to vector<16xf32>
    %get3A_39 = arith.constant 80 : index
    %get3A_40 = tpu.vector_load %arg8[%get3A_39] {strides = array<i32>} : memref<128xf32, #tpu.memory_space<vmem>>, vector<16xf32>,
    %get3A_41 = vector.shape_cast %get3A_40 : vector<16xf32> to vector<16xf32>
    %get3A_42 = arith.constant 96 : index
    %get3A_43 = tpu.vector_load %arg8[%get3A_42] {strides = array<i32>} : memref<128xf32, #tpu.memory_space<vmem>>, vector<16xf32>,
    %get3A_44 = vector.shape_cast %get3A_43 : vector<16xf32> to vector<16xf32>
    %get3A_45 = arith.constant 112 : index
    %get3A_46 = tpu.vector_load %arg8[%get3A_45] {strides = array<i32>} : memref<128xf32, #tpu.memory_space<vmem>>, vector<16xf32>,
    %get3A_47 = vector.shape_cast %get3A_46 : vector<16xf32> to vector<16xf32>
    %add3A_48 = arith.constant 0 : i32
    %add3A_49 = arith.addi %add3A_48, %add3A : i32
    %mul3A_50 = arith.constant 200 : i32
    %mul3A_51 = arith.muli %add3A_49, %mul3A_50 : i32
    %add3A_52 = arith.constant 75000 : i32
    %add3A_53 = arith.addi %add3A_52, %mul3A_51 : i32
    %dma_start3A = arith.constant 0 : i32
    %dma_start3A_54 = arith.constant 0 : i32
    %dma_start3A_55 = arith.constant 0 : i32
    %dma_start3A_56 = arith.constant 0 : i32
    %dma_start3A_57 = tpu.memref_slice %arg6[%dma_start3A, %dma_start3A_55, %dma_start3A_56] : memref<2x200x128xf32, #tpu.memory_space<vmem>> -> memref<1x200x128xf32, #tpu.memory_space<vmem>>
    %dma_start3A_58 = tpu.memref_squeeze %dma_start3A_57 : memref<1x200x128xf32, #tpu.memory_space<vmem>> -> memref<200x128xf32, #tpu.memory_space<vmem>>
    %dma_start3A_59 = arith.constant 0 : i32
    %dma_start3A_60 = tpu.memref_slice %arg2[%add3A_53, %dma_start3A_59] : memref<100000x128xf32, #tpu.memory_space<hbm>> -> memref<200x128xf32, #tpu.memory_space<hbm>>
    %dma_start3A_61 = tpu.memref_slice %arg9[%dma_start3A_54] : memref<4x!tpu.dma_semaphore, #tpu.memory_space<semaphore_mem>> -> memref<1x!tpu.dma_semaphore, #tpu.memory_space<semaphore_mem>>
    %dma_start3A_62 = tpu.memref_squeeze %dma_start3A_61 : memref<1x!tpu.dma_semaphore, #tpu.memory_space<semaphore_mem>> -> memref<!tpu.dma_semaphore, #tpu.memory_space<semaphore_mem>>
    %dma_start3A_63 = arith.constant 0 : i32
    %dma_start3A_64 = arith.constant 0 : i32
    %dma_start3A_65 = tpu.memref_slice %arg6[%dma_start3A, %dma_start3A_63, %dma_start3A_64] : memref<2x200x128xf32, #tpu.memory_space<vmem>> -> memref<1x200x128xf32, #tpu.memory_space<vmem>>
    %dma_start3A_66 = tpu.memref_squeeze %dma_start3A_65 : memref<1x200x128xf32, #tpu.memory_space<vmem>> -> memref<200x128xf32, #tpu.memory_space<vmem>>
    %dma_start3A_67 = arith.constant 0 : i32
    %dma_start3A_68 = tpu.memref_slice %arg2[%add3A_53, %dma_start3A_67] : memref<100000x128xf32, #tpu.memory_space<hbm>> -> memref<200x128xf32, #tpu.memory_space<hbm>>
    tpu.enqueue_dma source(%dma_start3A_68 : memref<200x128xf32, #tpu.memory_space<hbm>>) target(%dma_start3A_66 : memref<200x128xf32, #tpu.memory_space<vmem>>) target_semaphore(%dma_start3A_62 : memref<!tpu.dma_semaphore, #tpu.memory_space<semaphore_mem>>)
    %add3A_69 = arith.constant 32 : i32
    %add3A_70 = arith.addi %add3A_69, %add3A : i32
    %mul3A_71 = arith.constant 200 : i32
    %mul3A_72 = arith.muli %add3A_70, %mul3A_71 : i32
    %add3A_73 = arith.constant 75000 : i32
    %add3A_74 = arith.addi %add3A_73, %mul3A_72 : i32
    %dma_start3A_75 = arith.constant 1 : i32
    %dma_start3A_76 = arith.constant 1 : i32
    %dma_start3A_77 = arith.constant 0 : i32
    %dma_start3A_78 = arith.constant 0 : i32
    %dma_start3A_79 = tpu.memref_slice %arg6[%dma_start3A_75, %dma_start3A_77, %dma_start3A_78] : memref<2x200x128xf32, #tpu.memory_space<vmem>> -> memref<1x200x128xf32, #tpu.memory_space<vmem>>
    %dma_start3A_80 = tpu.memref_squeeze %dma_start3A_79 : memref<1x200x128xf32, #tpu.memory_space<vmem>> -> memref<200x128xf32, #tpu.memory_space<vmem>>
    %dma_start3A_81 = arith.constant 0 : i32
    %dma_start3A_82 = tpu.memref_slice %arg2[%add3A_74, %dma_start3A_81] : memref<100000x128xf32, #tpu.memory_space<hbm>> -> memref<200x128xf32, #tpu.memory_space<hbm>>
    %dma_start3A_83 = tpu.memref_slice %arg9[%dma_start3A_76] : memref<4x!tpu.dma_semaphore, #tpu.memory_space<semaphore_mem>> -> memref<1x!tpu.dma_semaphore, #tpu.memory_space<semaphore_mem>>
    %dma_start3A_84 = tpu.memref_squeeze %dma_start3A_83 : memref<1x!tpu.dma_semaphore, #tpu.memory_space<semaphore_mem>> -> memref<!tpu.dma_semaphore, #tpu.memory_space<semaphore_mem>>
    %dma_start3A_85 = arith.constant 0 : i32
    %dma_start3A_86 = arith.constant 0 : i32
    %dma_start3A_87 = tpu.memref_slice %arg6[%dma_start3A_75, %dma_start3A_85, %dma_start3A_86] : memref<2x200x128xf32, #tpu.memory_space<vmem>> -> memref<1x200x128xf32, #tpu.memory_space<vmem>>
    %dma_start3A_88 = tpu.memref_squeeze %dma_start3A_87 : memref<1x200x128xf32, #tpu.memory_space<vmem>> -> memref<200x128xf32, #tpu.memory_space<vmem>>
    %dma_start3A_89 = arith.constant 0 : i32
    %dma_start3A_90 = tpu.memref_slice %arg2[%add3A_74, %dma_start3A_89] : memref<100000x128xf32, #tpu.memory_space<hbm>> -> memref<200x128xf32, #tpu.memory_space<hbm>>
    tpu.enqueue_dma source(%dma_start3A_90 : memref<200x128xf32, #tpu.memory_space<hbm>>) target(%dma_start3A_88 : memref<200x128xf32, #tpu.memory_space<vmem>>) target_semaphore(%dma_start3A_84 : memref<!tpu.dma_semaphore, #tpu.memory_space<semaphore_mem>>)
    %add3A_91 = arith.constant 0 : i32
    %add3A_92 = arith.addi %add3A_91, %add3A : i32
    %mul3A_93 = arith.constant 200 : i32
    %mul3A_94 = arith.muli %add3A_92, %mul3A_93 : i32
    %add3A_95 = arith.constant 75000 : i32
    %add3A_96 = arith.addi %add3A_95, %mul3A_94 : i32
    %dma_wait3A = arith.constant 0 : i32
    %dma_wait3A_97 = arith.constant 0 : i32
    %dma_wait3A_98 = arith.constant 0 : i32
    %dma_wait3A_99 = arith.constant 0 : i32
    %dma_wait3A_100 = tpu.memref_slice %arg6[%dma_wait3A, %dma_wait3A_98, %dma_wait3A_99] : memref<2x200x128xf32, #tpu.memory_space<vmem>> -> memref<1x200x128xf32, #tpu.memory_space<vmem>>
    %dma_wait3A_101 = tpu.memref_squeeze %dma_wait3A_100 : memref<1x200x128xf32, #tpu.memory_space<vmem>> -> memref<200x128xf32, #tpu.memory_space<vmem>>
    %dma_wait3A_102 = arith.constant 0 : i32
    %dma_wait3A_103 = tpu.memref_slice %arg2[%add3A_96, %dma_wait3A_102] : memref<100000x128xf32, #tpu.memory_space<hbm>> -> memref<200x128xf32, #tpu.memory_space<hbm>>
    %dma_wait3A_104 = tpu.memref_slice %arg9[%dma_wait3A_97] : memref<4x!tpu.dma_semaphore, #tpu.memory_space<semaphore_mem>> -> memref<1x!tpu.dma_semaphore, #tpu.memory_space<semaphore_mem>>
    %dma_wait3A_105 = tpu.memref_squeeze %dma_wait3A_104 : memref<1x!tpu.dma_semaphore, #tpu.memory_space<semaphore_mem>> -> memref<!tpu.dma_semaphore, #tpu.memory_space<semaphore_mem>>
    %dma_wait3A_106 = arith.constant 0 : i32
    %dma_wait3A_107 = arith.constant 0 : i32
    %dma_wait3A_108 = tpu.memref_slice %arg6[%dma_wait3A, %dma_wait3A_106, %dma_wait3A_107] : memref<2x200x128xf32, #tpu.memory_space<vmem>> -> memref<1x200x128xf32, #tpu.memory_space<vmem>>
    %dma_wait3A_109 = tpu.memref_squeeze %dma_wait3A_108 : memref<1x200x128xf32, #tpu.memory_space<vmem>> -> memref<200x128xf32, #tpu.memory_space<vmem>>
    %dma_wait3A_110 = arith.constant 0 : i32
    %dma_wait3A_111 = tpu.memref_slice %arg2[%add3A_96, %dma_wait3A_110] : memref<100000x128xf32, #tpu.memory_space<hbm>> -> memref<200x128xf32, #tpu.memory_space<hbm>>
    tpu.wait_dma2 semaphore(%dma_wait3A_105 : memref<!tpu.dma_semaphore, #tpu.memory_space<semaphore_mem>>) src(%dma_wait3A_111 : memref<200x128xf32, #tpu.memory_space<hbm>>) dst(%dma_wait3A_109 : memref<200x128xf32, #tpu.memory_space<vmem>>)
    %scan3A = arith.constant 0 : i32
    %scan3A_112 = arith.constant 0 : i32
    %scan3A_113 = arith.constant 200 : i32
    %scan3A_114 = arith.addi %scan3A_112, %scan3A_113 : i32
    %scan3A_115 = arith.constant 1 : i32
    scf.for %scan3A_317 = %scan3A_112 to %scan3A_114 step %scan3A_115  : i32 {
      %get3A_318 = arith.constant 0 : i32
      %get3A_319 = arith.index_cast %get3A_318 : i32 to index
      %get3A_320 = arith.index_cast %scan3A_317 : i32 to index
      %get3A_321 = arith.constant 0 : index
      %get3A_322 = tpu.vector_load %arg6[%get3A_319, %get3A_320, %get3A_321] {strides = array<i32>} : memref<2x200x128xf32, #tpu.memory_space<vmem>>, vector<1x1x16xf32>,
      %get3A_323 = vector.shape_cast %get3A_322 : vector<1x1x16xf32> to vector<16xf32>
      %mul3A_324 = arith.mulf %get3A_323, %get3A_2 : vector<16xf32>
      %max3A = arith.constant 0.000000e+00 : f32
      %max3A_325 = vector.broadcast %max3A : f32 to vector<16xf32>
      %max3A_326 = arith.maximumf %mul3A_324, %max3A_325 : vector<16xf32>
      %mul3A_327 = arith.mulf %max3A_326, %get3A_26 : vector<16xf32>
      %swap3A = arith.constant 0 : i32
      %swap3A_328 = arith.index_cast %swap3A : i32 to index
      %swap3A_329 = arith.index_cast %scan3A_317 : i32 to index
      %swap3A_330 = arith.constant 0 : index
      %swap3A_331 = tpu.vector_load %arg6[%swap3A_328, %swap3A_329, %swap3A_330] {strides = array<i32>} : memref<2x200x128xf32, #tpu.memory_space<vmem>>, vector<1x1x16xf32>,
      %swap3A_332 = vector.shape_cast %swap3A_331 : vector<1x1x16xf32> to vector<16xf32>
      %swap3A_333 = vector.shape_cast %mul3A_327 : vector<16xf32> to vector<1x1x16xf32>
      tpu.vector_store %arg6[%swap3A_328, %swap3A_329, %swap3A_330], %swap3A_333 {strides = array<i32>} : memref<2x200x128xf32, #tpu.memory_space<vmem>>, vector<1x1x16xf32>,
      %get3A_334 = arith.constant 0 : i32
      %get3A_335 = arith.index_cast %get3A_334 : i32 to index
      %get3A_336 = arith.index_cast %scan3A_317 : i32 to index
      %get3A_337 = arith.constant 16 : index
      %get3A_338 = tpu.vector_load %arg6[%get3A_335, %get3A_336, %get3A_337] {strides = array<i32>} : memref<2x200x128xf32, #tpu.memory_space<vmem>>, vector<1x1x16xf32>,
      %get3A_339 = vector.shape_cast %get3A_338 : vector<1x1x16xf32> to vector<16xf32>
      %mul3A_340 = arith.mulf %get3A_339, %get3A_5 : vector<16xf32>
      %max3A_341 = arith.constant 0.000000e+00 : f32
      %max3A_342 = vector.broadcast %max3A_341 : f32 to vector<16xf32>
      %max3A_343 = arith.maximumf %mul3A_340, %max3A_342 : vector<16xf32>
      %mul3A_344 = arith.mulf %max3A_343, %get3A_29 : vector<16xf32>
      %swap3A_345 = arith.constant 0 : i32
      %swap3A_346 = arith.index_cast %swap3A_345 : i32 to index
      %swap3A_347 = arith.index_cast %scan3A_317 : i32 to index
      %swap3A_348 = arith.constant 16 : index
      %swap3A_349 = tpu.vector_load %arg6[%swap3A_346, %swap3A_347, %swap3A_348] {strides = array<i32>} : memref<2x200x128xf32, #tpu.memory_space<vmem>>, vector<1x1x16xf32>,
      %swap3A_350 = vector.shape_cast %swap3A_349 : vector<1x1x16xf32> to vector<16xf32>
      %swap3A_351 = vector.shape_cast %mul3A_344 : vector<16xf32> to vector<1x1x16xf32>
      tpu.vector_store %arg6[%swap3A_346, %swap3A_347, %swap3A_348], %swap3A_351 {strides = array<i32>} : memref<2x200x128xf32, #tpu.memory_space<vmem>>, vector<1x1x16xf32>,
      %get3A_352 = arith.constant 0 : i32
      %get3A_353 = arith.index_cast %get3A_352 : i32 to index
      %get3A_354 = arith.index_cast %scan3A_317 : i32 to index
      %get3A_355 = arith.constant 32 : index
      %get3A_356 = tpu.vector_load %arg6[%get3A_353, %get3A_354, %get3A_355] {strides = array<i32>} : memref<2x200x128xf32, #tpu.memory_space<vmem>>, vector<1x1x16xf32>,
      %get3A_357 = vector.shape_cast %get3A_356 : vector<1x1x16xf32> to vector<16xf32>
      %mul3A_358 = arith.mulf %get3A_357, %get3A_8 : vector<16xf32>
      %max3A_359 = arith.constant 0.000000e+00 : f32
      %max3A_360 = vector.broadcast %max3A_359 : f32 to vector<16xf32>
      %max3A_361 = arith.maximumf %mul3A_358, %max3A_360 : vector<16xf32>
      %mul3A_362 = arith.mulf %max3A_361, %get3A_32 : vector<16xf32>
      %swap3A_363 = arith.constant 0 : i32
      %swap3A_364 = arith.index_cast %swap3A_363 : i32 to index
      %swap3A_365 = arith.index_cast %scan3A_317 : i32 to index
      %swap3A_366 = arith.constant 32 : index
      %swap3A_367 = tpu.vector_load %arg6[%swap3A_364, %swap3A_365, %swap3A_366] {strides = array<i32>} : memref<2x200x128xf32, #tpu.memory_space<vmem>>, vector<1x1x16xf32>,
      %swap3A_368 = vector.shape_cast %swap3A_367 : vector<1x1x16xf32> to vector<16xf32>
      %swap3A_369 = vector.shape_cast %mul3A_362 : vector<16xf32> to vector<1x1x16xf32>
      tpu.vector_store %arg6[%swap3A_364, %swap3A_365, %swap3A_366], %swap3A_369 {strides = array<i32>} : memref<2x200x128xf32, #tpu.memory_space<vmem>>, vector<1x1x16xf32>,
      %get3A_370 = arith.constant 0 : i32
      %get3A_371 = arith.index_cast %get3A_370 : i32 to index
      %get3A_372 = arith.index_cast %scan3A_317 : i32 to index
      %get3A_373 = arith.constant 48 : index
      %get3A_374 = tpu.vector_load %arg6[%get3A_371, %get3A_372, %get3A_373] {strides = array<i32>} : memref<2x200x128xf32, #tpu.memory_space<vmem>>, vector<1x1x16xf32>,
      %get3A_375 = vector.shape_cast %get3A_374 : vector<1x1x16xf32> to vector<16xf32>
      %mul3A_376 = arith.mulf %get3A_375, %get3A_11 : vector<16xf32>
      %max3A_377 = arith.constant 0.000000e+00 : f32
      %max3A_378 = vector.broadcast %max3A_377 : f32 to vector<16xf32>
      %max3A_379 = arith.maximumf %mul3A_376, %max3A_378 : vector<16xf32>
      %mul3A_380 = arith.mulf %max3A_379, %get3A_35 : vector<16xf32>
      %swap3A_381 = arith.constant 0 : i32
      %swap3A_382 = arith.index_cast %swap3A_381 : i32 to index
      %swap3A_383 = arith.index_cast %scan3A_317 : i32 to index
      %swap3A_384 = arith.constant 48 : index
      %swap3A_385 = tpu.vector_load %arg6[%swap3A_382, %swap3A_383, %swap3A_384] {strides = array<i32>} : memref<2x200x128xf32, #tpu.memory_space<vmem>>, vector<1x1x16xf32>,
      %swap3A_386 = vector.shape_cast %swap3A_385 : vector<1x1x16xf32> to vector<16xf32>
      %swap3A_387 = vector.shape_cast %mul3A_380 : vector<16xf32> to vector<1x1x16xf32>
      tpu.vector_store %arg6[%swap3A_382, %swap3A_383, %swap3A_384], %swap3A_387 {strides = array<i32>} : memref<2x200x128xf32, #tpu.memory_space<vmem>>, vector<1x1x16xf32>,
      %get3A_388 = arith.constant 0 : i32
      %get3A_389 = arith.index_cast %get3A_388 : i32 to index
      %get3A_390 = arith.index_cast %scan3A_317 : i32 to index
      %get3A_391 = arith.constant 64 : index
      %get3A_392 = tpu.vector_load %arg6[%get3A_389, %get3A_390, %get3A_391] {strides = array<i32>} : memref<2x200x128xf32, #tpu.memory_space<vmem>>, vector<1x1x16xf32>,
      %get3A_393 = vector.shape_cast %get3A_392 : vector<1x1x16xf32> to vector<16xf32>
      %mul3A_394 = arith.mulf %get3A_393, %get3A_14 : vector<16xf32>
      %max3A_395 = arith.constant 0.000000e+00 : f32
      %max3A_396 = vector.broadcast %max3A_395 : f32 to vector<16xf32>
      %max3A_397 = arith.maximumf %mul3A_394, %max3A_396 : vector<16xf32>
      %mul3A_398 = arith.mulf %max3A_397, %get3A_38 : vector<16xf32>
      %swap3A_399 = arith.constant 0 : i32
      %swap3A_400 = arith.index_cast %swap3A_399 : i32 to index
      %swap3A_401 = arith.index_cast %scan3A_317 : i32 to index
      %swap3A_402 = arith.constant 64 : index
      %swap3A_403 = tpu.vector_load %arg6[%swap3A_400, %swap3A_401, %swap3A_402] {strides = array<i32>} : memref<2x200x128xf32, #tpu.memory_space<vmem>>, vector<1x1x16xf32>,
      %swap3A_404 = vector.shape_cast %swap3A_403 : vector<1x1x16xf32> to vector<16xf32>
      %swap3A_405 = vector.shape_cast %mul3A_398 : vector<16xf32> to vector<1x1x16xf32>
      tpu.vector_store %arg6[%swap3A_400, %swap3A_401, %swap3A_402], %swap3A_405 {strides = array<i32>} : memref<2x200x128xf32, #tpu.memory_space<vmem>>, vector<1x1x16xf32>,
      %get3A_406 = arith.constant 0 : i32
      %get3A_407 = arith.index_cast %get3A_406 : i32 to index
      %get3A_408 = arith.index_cast %scan3A_317 : i32 to index
      %get3A_409 = arith.constant 80 : index
      %get3A_410 = tpu.vector_load %arg6[%get3A_407, %get3A_408, %get3A_409] {strides = array<i32>} : memref<2x200x128xf32, #tpu.memory_space<vmem>>, vector<1x1x16xf32>,
      %get3A_411 = vector.shape_cast %get3A_410 : vector<1x1x16xf32> to vector<16xf32>
      %mul3A_412 = arith.mulf %get3A_411, %get3A_17 : vector<16xf32>
      %max3A_413 = arith.constant 0.000000e+00 : f32
      %max3A_414 = vector.broadcast %max3A_413 : f32 to vector<16xf32>
      %max3A_415 = arith.maximumf %mul3A_412, %max3A_414 : vector<16xf32>
      %mul3A_416 = arith.mulf %max3A_415, %get3A_41 : vector<16xf32>
      %swap3A_417 = arith.constant 0 : i32
      %swap3A_418 = arith.index_cast %swap3A_417 : i32 to index
      %swap3A_419 = arith.index_cast %scan3A_317 : i32 to index
      %swap3A_420 = arith.constant 80 : index
      %swap3A_421 = tpu.vector_load %arg6[%swap3A_418, %swap3A_419, %swap3A_420] {strides = array<i32>} : memref<2x200x128xf32, #tpu.memory_space<vmem>>, vector<1x1x16xf32>,
      %swap3A_422 = vector.shape_cast %swap3A_421 : vector<1x1x16xf32> to vector<16xf32>
      %swap3A_423 = vector.shape_cast %mul3A_416 : vector<16xf32> to vector<1x1x16xf32>
      tpu.vector_store %arg6[%swap3A_418, %swap3A_419, %swap3A_420], %swap3A_423 {strides = array<i32>} : memref<2x200x128xf32, #tpu.memory_space<vmem>>, vector<1x1x16xf32>,
      %get3A_424 = arith.constant 0 : i32
      %get3A_425 = arith.index_cast %get3A_424 : i32 to index
      %get3A_426 = arith.index_cast %scan3A_317 : i32 to index
      %get3A_427 = arith.constant 96 : index
      %get3A_428 = tpu.vector_load %arg6[%get3A_425, %get3A_426, %get3A_427] {strides = array<i32>} : memref<2x200x128xf32, #tpu.memory_space<vmem>>, vector<1x1x16xf32>,
      %get3A_429 = vector.shape_cast %get3A_428 : vector<1x1x16xf32> to vector<16xf32>
      %mul3A_430 = arith.mulf %get3A_429, %get3A_20 : vector<16xf32>
      %max3A_431 = arith.constant 0.000000e+00 : f32
      %max3A_432 = vector.broadcast %max3A_431 : f32 to vector<16xf32>
      %max3A_433 = arith.maximumf %mul3A_430, %max3A_432 : vector<16xf32>
      %mul3A_434 = arith.mulf %max3A_433, %get3A_44 : vector<16xf32>
      %swap3A_435 = arith.constant 0 : i32
      %swap3A_436 = arith.index_cast %swap3A_435 : i32 to index
      %swap3A_437 = arith.index_cast %scan3A_317 : i32 to index
      %swap3A_438 = arith.constant 96 : index
      %swap3A_439 = tpu.vector_load %arg6[%swap3A_436, %swap3A_437, %swap3A_438] {strides = array<i32>} : memref<2x200x128xf32, #tpu.memory_space<vmem>>, vector<1x1x16xf32>,
      %swap3A_440 = vector.shape_cast %swap3A_439 : vector<1x1x16xf32> to vector<16xf32>
      %swap3A_441 = vector.shape_cast %mul3A_434 : vector<16xf32> to vector<1x1x16xf32>
      tpu.vector_store %arg6[%swap3A_436, %swap3A_437, %swap3A_438], %swap3A_441 {strides = array<i32>} : memref<2x200x128xf32, #tpu.memory_space<vmem>>, vector<1x1x16xf32>,
      %get3A_442 = arith.constant 0 : i32
      %get3A_443 = arith.index_cast %get3A_442 : i32 to index
      %get3A_444 = arith.index_cast %scan3A_317 : i32 to index
      %get3A_445 = arith.constant 112 : index
      %get3A_446 = tpu.vector_load %arg6[%get3A_443, %get3A_444, %get3A_445] {strides = array<i32>} : memref<2x200x128xf32, #tpu.memory_space<vmem>>, vector<1x1x16xf32>,
      %get3A_447 = vector.shape_cast %get3A_446 : vector<1x1x16xf32> to vector<16xf32>
      %mul3A_448 = arith.mulf %get3A_447, %get3A_23 : vector<16xf32>
      %max3A_449 = arith.constant 0.000000e+00 : f32
      %max3A_450 = vector.broadcast %max3A_449 : f32 to vector<16xf32>
      %max3A_451 = arith.maximumf %mul3A_448, %max3A_450 : vector<16xf32>
      %mul3A_452 = arith.mulf %max3A_451, %get3A_47 : vector<16xf32>
      %swap3A_453 = arith.constant 0 : i32
      %swap3A_454 = arith.index_cast %swap3A_453 : i32 to index
      %swap3A_455 = arith.index_cast %scan3A_317 : i32 to index
      %swap3A_456 = arith.constant 112 : index
      %swap3A_457 = tpu.vector_load %arg6[%swap3A_454, %swap3A_455, %swap3A_456] {strides = array<i32>} : memref<2x200x128xf32, #tpu.memory_space<vmem>>, vector<1x1x16xf32>,
      %swap3A_458 = vector.shape_cast %swap3A_457 : vector<1x1x16xf32> to vector<16xf32>
      %swap3A_459 = vector.shape_cast %mul3A_452 : vector<16xf32> to vector<1x1x16xf32>
      tpu.vector_store %arg6[%swap3A_454, %swap3A_455, %swap3A_456], %swap3A_459 {strides = array<i32>} : memref<2x200x128xf32, #tpu.memory_space<vmem>>, vector<1x1x16xf32>,
    }
    %scan3A_116 = arith.constant 200 : i32
    %add3A_117 = arith.constant 0 : i32
    %add3A_118 = arith.addi %add3A_117, %add3A : i32
    %mul3A_119 = arith.constant 200 : i32
    %mul3A_120 = arith.muli %add3A_118, %mul3A_119 : i32
    %dma_start3A_121 = arith.constant 0 : i32
    %dma_start3A_122 = arith.constant 2 : i32
    %dma_start3A_123 = arith.constant 0 : i32
    %dma_start3A_124 = arith.constant 0 : i32
    %dma_start3A_125 = tpu.memref_slice %arg6[%dma_start3A_121, %dma_start3A_123, %dma_start3A_124] : memref<2x200x128xf32, #tpu.memory_space<vmem>> -> memref<1x200x128xf32, #tpu.memory_space<vmem>>
    %dma_start3A_126 = tpu.memref_squeeze %dma_start3A_125 : memref<1x200x128xf32, #tpu.memory_space<vmem>> -> memref<200x128xf32, #tpu.memory_space<vmem>>
    %dma_start3A_127 = arith.constant 0 : i32
    %dma_start3A_128 = tpu.memref_slice %arg5[%mul3A_120, %dma_start3A_127] : memref<25000x128xf32, #tpu.memory_space<hbm>> -> memref<200x128xf32, #tpu.memory_space<hbm>>
    %dma_start3A_129 = tpu.memref_slice %arg9[%dma_start3A_122] : memref<4x!tpu.dma_semaphore, #tpu.memory_space<semaphore_mem>> -> memref<1x!tpu.dma_semaphore, #tpu.memory_space<semaphore_mem>>
    %dma_start3A_130 = tpu.memref_squeeze %dma_start3A_129 : memref<1x!tpu.dma_semaphore, #tpu.memory_space<semaphore_mem>> -> memref<!tpu.dma_semaphore, #tpu.memory_space<semaphore_mem>>
    %dma_start3A_131 = arith.constant 0 : i32
    %dma_start3A_132 = tpu.memref_slice %arg5[%mul3A_120, %dma_start3A_131] : memref<25000x128xf32, #tpu.memory_space<hbm>> -> memref<200x128xf32, #tpu.memory_space<hbm>>
    %dma_start3A_133 = arith.constant 0 : i32
    %dma_start3A_134 = arith.constant 0 : i32
    %dma_start3A_135 = tpu.memref_slice %arg6[%dma_start3A_121, %dma_start3A_133, %dma_start3A_134] : memref<2x200x128xf32, #tpu.memory_space<vmem>> -> memref<1x200x128xf32, #tpu.memory_space<vmem>>
    %dma_start3A_136 = tpu.memref_squeeze %dma_start3A_135 : memref<1x200x128xf32, #tpu.memory_space<vmem>> -> memref<200x128xf32, #tpu.memory_space<vmem>>
    tpu.enqueue_dma source(%dma_start3A_136 : memref<200x128xf32, #tpu.memory_space<vmem>>) target(%dma_start3A_132 : memref<200x128xf32, #tpu.memory_space<hbm>>) target_semaphore(%dma_start3A_130 : memref<!tpu.dma_semaphore, #tpu.memory_space<semaphore_mem>>)
    %add3A_137 = arith.constant 0 : i32
    %add3A_138 = arith.addi %add3A_137, %add3A : i32
    %mul3A_139 = arith.constant 200 : i32
    %mul3A_140 = arith.muli %add3A_138, %mul3A_139 : i32
    %dma_wait3A_141 = arith.constant 0 : i32
    %dma_wait3A_142 = arith.constant 2 : i32
    %dma_wait3A_143 = arith.constant 0 : i32
    %dma_wait3A_144 = arith.constant 0 : i32
    %dma_wait3A_145 = tpu.memref_slice %arg6[%dma_wait3A_141, %dma_wait3A_143, %dma_wait3A_144] : memref<2x200x128xf32, #tpu.memory_space<vmem>> -> memref<1x200x128xf32, #tpu.memory_space<vmem>>
    %dma_wait3A_146 = tpu.memref_squeeze %dma_wait3A_145 : memref<1x200x128xf32, #tpu.memory_space<vmem>> -> memref<200x128xf32, #tpu.memory_space<vmem>>
    %dma_wait3A_147 = arith.constant 0 : i32
    %dma_wait3A_148 = tpu.memref_slice %arg5[%mul3A_140, %dma_wait3A_147] : memref<25000x128xf32, #tpu.memory_space<hbm>> -> memref<200x128xf32, #tpu.memory_space<hbm>>
    %dma_wait3A_149 = tpu.memref_slice %arg9[%dma_wait3A_142] : memref<4x!tpu.dma_semaphore, #tpu.memory_space<semaphore_mem>> -> memref<1x!tpu.dma_semaphore, #tpu.memory_space<semaphore_mem>>
    %dma_wait3A_150 = tpu.memref_squeeze %dma_wait3A_149 : memref<1x!tpu.dma_semaphore, #tpu.memory_space<semaphore_mem>> -> memref<!tpu.dma_semaphore, #tpu.memory_space<semaphore_mem>>
    %dma_wait3A_151 = arith.constant 0 : i32
    %dma_wait3A_152 = tpu.memref_slice %arg5[%mul3A_140, %dma_wait3A_151] : memref<25000x128xf32, #tpu.memory_space<hbm>> -> memref<200x128xf32, #tpu.memory_space<hbm>>
    %dma_wait3A_153 = arith.constant 0 : i32
    %dma_wait3A_154 = arith.constant 0 : i32
    %dma_wait3A_155 = tpu.memref_slice %arg6[%dma_wait3A_141, %dma_wait3A_153, %dma_wait3A_154] : memref<2x200x128xf32, #tpu.memory_space<vmem>> -> memref<1x200x128xf32, #tpu.memory_space<vmem>>
    %dma_wait3A_156 = tpu.memref_squeeze %dma_wait3A_155 : memref<1x200x128xf32, #tpu.memory_space<vmem>> -> memref<200x128xf32, #tpu.memory_space<vmem>>
    tpu.wait_dma2 semaphore(%dma_wait3A_150 : memref<!tpu.dma_semaphore, #tpu.memory_space<semaphore_mem>>) src(%dma_wait3A_156 : memref<200x128xf32, #tpu.memory_space<vmem>>) dst(%dma_wait3A_152 : memref<200x128xf32, #tpu.memory_space<hbm>>)
    %add3A_157 = arith.constant 64 : i32
    %add3A_158 = arith.addi %add3A_157, %add3A : i32
    %mul3A_159 = arith.constant 200 : i32
    %mul3A_160 = arith.muli %add3A_158, %mul3A_159 : i32
    %add3A_161 = arith.constant 75000 : i32
    %add3A_162 = arith.addi %add3A_161, %mul3A_160 : i32
    %dma_start3A_163 = arith.constant 0 : i32
    %dma_start3A_164 = arith.constant 0 : i32
    %dma_start3A_165 = arith.constant 0 : i32
    %dma_start3A_166 = arith.constant 0 : i32
    %dma_start3A_167 = tpu.memref_slice %arg6[%dma_start3A_163, %dma_start3A_165, %dma_start3A_166] : memref<2x200x128xf32, #tpu.memory_space<vmem>> -> memref<1x200x128xf32, #tpu.memory_space<vmem>>
    %dma_start3A_168 = tpu.memref_squeeze %dma_start3A_167 : memref<1x200x128xf32, #tpu.memory_space<vmem>> -> memref<200x128xf32, #tpu.memory_space<vmem>>
    %dma_start3A_169 = arith.constant 0 : i32
    %dma_start3A_170 = tpu.memref_slice %arg2[%add3A_162, %dma_start3A_169] : memref<100000x128xf32, #tpu.memory_space<hbm>> -> memref<200x128xf32, #tpu.memory_space<hbm>>
    %dma_start3A_171 = tpu.memref_slice %arg9[%dma_start3A_164] : memref<4x!tpu.dma_semaphore, #tpu.memory_space<semaphore_mem>> -> memref<1x!tpu.dma_semaphore, #tpu.memory_space<semaphore_mem>>
    %dma_start3A_172 = tpu.memref_squeeze %dma_start3A_171 : memref<1x!tpu.dma_semaphore, #tpu.memory_space<semaphore_mem>> -> memref<!tpu.dma_semaphore, #tpu.memory_space<semaphore_mem>>
    %dma_start3A_173 = arith.constant 0 : i32
    %dma_start3A_174 = arith.constant 0 : i32
    %dma_start3A_175 = tpu.memref_slice %arg6[%dma_start3A_163, %dma_start3A_173, %dma_start3A_174] : memref<2x200x128xf32, #tpu.memory_space<vmem>> -> memref<1x200x128xf32, #tpu.memory_space<vmem>>
    %dma_start3A_176 = tpu.memref_squeeze %dma_start3A_175 : memref<1x200x128xf32, #tpu.memory_space<vmem>> -> memref<200x128xf32, #tpu.memory_space<vmem>>
    %dma_start3A_177 = arith.constant 0 : i32
    %dma_start3A_178 = tpu.memref_slice %arg2[%add3A_162, %dma_start3A_177] : memref<100000x128xf32, #tpu.memory_space<hbm>> -> memref<200x128xf32, #tpu.memory_space<hbm>>
    tpu.enqueue_dma source(%dma_start3A_178 : memref<200x128xf32, #tpu.memory_space<hbm>>) target(%dma_start3A_176 : memref<200x128xf32, #tpu.memory_space<vmem>>) target_semaphore(%dma_start3A_172 : memref<!tpu.dma_semaphore, #tpu.memory_space<semaphore_mem>>)
    %add3A_179 = arith.constant 32 : i32
    %add3A_180 = arith.addi %add3A_179, %add3A : i32
    %mul3A_181 = arith.constant 200 : i32
    %mul3A_182 = arith.muli %add3A_180, %mul3A_181 : i32
    %add3A_183 = arith.constant 75000 : i32
    %add3A_184 = arith.addi %add3A_183, %mul3A_182 : i32
    %dma_wait3A_185 = arith.constant 1 : i32
    %dma_wait3A_186 = arith.constant 1 : i32
    %dma_wait3A_187 = arith.constant 0 : i32
    %dma_wait3A_188 = arith.constant 0 : i32
    %dma_wait3A_189 = tpu.memref_slice %arg6[%dma_wait3A_185, %dma_wait3A_187, %dma_wait3A_188] : memref<2x200x128xf32, #tpu.memory_space<vmem>> -> memref<1x200x128xf32, #tpu.memory_space<vmem>>
    %dma_wait3A_190 = tpu.memref_squeeze %dma_wait3A_189 : memref<1x200x128xf32, #tpu.memory_space<vmem>> -> memref<200x128xf32, #tpu.memory_space<vmem>>
    %dma_wait3A_191 = arith.constant 0 : i32
    %dma_wait3A_192 = tpu.memref_slice %arg2[%add3A_184, %dma_wait3A_191] : memref<100000x128xf32, #tpu.memory_space<hbm>> -> memref<200x128xf32, #tpu.memory_space<hbm>>
    %dma_wait3A_193 = tpu.memref_slice %arg9[%dma_wait3A_186] : memref<4x!tpu.dma_semaphore, #tpu.memory_space<semaphore_mem>> -> memref<1x!tpu.dma_semaphore, #tpu.memory_space<semaphore_mem>>
    %dma_wait3A_194 = tpu.memref_squeeze %dma_wait3A_193 : memref<1x!tpu.dma_semaphore, #tpu.memory_space<semaphore_mem>> -> memref<!tpu.dma_semaphore, #tpu.memory_space<semaphore_mem>>
    %dma_wait3A_195 = arith.constant 0 : i32
    %dma_wait3A_196 = arith.constant 0 : i32
    %dma_wait3A_197 = tpu.memref_slice %arg6[%dma_wait3A_185, %dma_wait3A_195, %dma_wait3A_196] : memref<2x200x128xf32, #tpu.memory_space<vmem>> -> memref<1x200x128xf32, #tpu.memory_space<vmem>>
    %dma_wait3A_198 = tpu.memref_squeeze %dma_wait3A_197 : memref<1x200x128xf32, #tpu.memory_space<vmem>> -> memref<200x128xf32, #tpu.memory_space<vmem>>
    %dma_wait3A_199 = arith.constant 0 : i32
    %dma_wait3A_200 = tpu.memref_slice %arg2[%add3A_184, %dma_wait3A_199] : memref<100000x128xf32, #tpu.memory_space<hbm>> -> memref<200x128xf32, #tpu.memory_space<hbm>>
    tpu.wait_dma2 semaphore(%dma_wait3A_194 : memref<!tpu.dma_semaphore, #tpu.memory_space<semaphore_mem>>) src(%dma_wait3A_200 : memref<200x128xf32, #tpu.memory_space<hbm>>) dst(%dma_wait3A_198 : memref<200x128xf32, #tpu.memory_space<vmem>>)
    %scan3A_201 = arith.constant 0 : i32
    %scan3A_202 = arith.constant 0 : i32
    %scan3A_203 = arith.constant 200 : i32
    %scan3A_204 = arith.addi %scan3A_202, %scan3A_203 : i32
    %scan3A_205 = arith.constant 1 : i32
    scf.for %scan3A_317 = %scan3A_202 to %scan3A_204 step %scan3A_205  : i32 {
      %get3A_318 = arith.constant 1 : i32
      %get3A_319 = arith.index_cast %get3A_318 : i32 to index
      %get3A_320 = arith.index_cast %scan3A_317 : i32 to index
      %get3A_321 = arith.constant 0 : index
      %get3A_322 = tpu.vector_load %arg6[%get3A_319, %get3A_320, %get3A_321] {strides = array<i32>} : memref<2x200x128xf32, #tpu.memory_space<vmem>>, vector<1x1x16xf32>,
      %get3A_323 = vector.shape_cast %get3A_322 : vector<1x1x16xf32> to vector<16xf32>
      %mul3A_324 = arith.mulf %get3A_323, %get3A_2 : vector<16xf32>
      %max3A = arith.constant 0.000000e+00 : f32
      %max3A_325 = vector.broadcast %max3A : f32 to vector<16xf32>
      %max3A_326 = arith.maximumf %mul3A_324, %max3A_325 : vector<16xf32>
      %mul3A_327 = arith.mulf %max3A_326, %get3A_26 : vector<16xf32>
      %swap3A = arith.constant 1 : i32
      %swap3A_328 = arith.index_cast %swap3A : i32 to index
      %swap3A_329 = arith.index_cast %scan3A_317 : i32 to index
      %swap3A_330 = arith.constant 0 : index
      %swap3A_331 = tpu.vector_load %arg6[%swap3A_328, %swap3A_329, %swap3A_330] {strides = array<i32>} : memref<2x200x128xf32, #tpu.memory_space<vmem>>, vector<1x1x16xf32>,
      %swap3A_332 = vector.shape_cast %swap3A_331 : vector<1x1x16xf32> to vector<16xf32>
      %swap3A_333 = vector.shape_cast %mul3A_327 : vector<16xf32> to vector<1x1x16xf32>
      tpu.vector_store %arg6[%swap3A_328, %swap3A_329, %swap3A_330], %swap3A_333 {strides = array<i32>} : memref<2x200x128xf32, #tpu.memory_space<vmem>>, vector<1x1x16xf32>,
      %get3A_334 = arith.constant 1 : i32
      %get3A_335 = arith.index_cast %get3A_334 : i32 to index
      %get3A_336 = arith.index_cast %scan3A_317 : i32 to index
      %get3A_337 = arith.constant 16 : index
      %get3A_338 = tpu.vector_load %arg6[%get3A_335, %get3A_336, %get3A_337] {strides = array<i32>} : memref<2x200x128xf32, #tpu.memory_space<vmem>>, vector<1x1x16xf32>,
      %get3A_339 = vector.shape_cast %get3A_338 : vector<1x1x16xf32> to vector<16xf32>
      %mul3A_340 = arith.mulf %get3A_339, %get3A_5 : vector<16xf32>
      %max3A_341 = arith.constant 0.000000e+00 : f32
      %max3A_342 = vector.broadcast %max3A_341 : f32 to vector<16xf32>
      %max3A_343 = arith.maximumf %mul3A_340, %max3A_342 : vector<16xf32>
      %mul3A_344 = arith.mulf %max3A_343, %get3A_29 : vector<16xf32>
      %swap3A_345 = arith.constant 1 : i32
      %swap3A_346 = arith.index_cast %swap3A_345 : i32 to index
      %swap3A_347 = arith.index_cast %scan3A_317 : i32 to index
      %swap3A_348 = arith.constant 16 : index
      %swap3A_349 = tpu.vector_load %arg6[%swap3A_346, %swap3A_347, %swap3A_348] {strides = array<i32>} : memref<2x200x128xf32, #tpu.memory_space<vmem>>, vector<1x1x16xf32>,
      %swap3A_350 = vector.shape_cast %swap3A_349 : vector<1x1x16xf32> to vector<16xf32>
      %swap3A_351 = vector.shape_cast %mul3A_344 : vector<16xf32> to vector<1x1x16xf32>
      tpu.vector_store %arg6[%swap3A_346, %swap3A_347, %swap3A_348], %swap3A_351 {strides = array<i32>} : memref<2x200x128xf32, #tpu.memory_space<vmem>>, vector<1x1x16xf32>,
      %get3A_352 = arith.constant 1 : i32
      %get3A_353 = arith.index_cast %get3A_352 : i32 to index
      %get3A_354 = arith.index_cast %scan3A_317 : i32 to index
      %get3A_355 = arith.constant 32 : index
      %get3A_356 = tpu.vector_load %arg6[%get3A_353, %get3A_354, %get3A_355] {strides = array<i32>} : memref<2x200x128xf32, #tpu.memory_space<vmem>>, vector<1x1x16xf32>,
      %get3A_357 = vector.shape_cast %get3A_356 : vector<1x1x16xf32> to vector<16xf32>
      %mul3A_358 = arith.mulf %get3A_357, %get3A_8 : vector<16xf32>
      %max3A_359 = arith.constant 0.000000e+00 : f32
      %max3A_360 = vector.broadcast %max3A_359 : f32 to vector<16xf32>
      %max3A_361 = arith.maximumf %mul3A_358, %max3A_360 : vector<16xf32>
      %mul3A_362 = arith.mulf %max3A_361, %get3A_32 : vector<16xf32>
      %swap3A_363 = arith.constant 1 : i32
      %swap3A_364 = arith.index_cast %swap3A_363 : i32 to index
      %swap3A_365 = arith.index_cast %scan3A_317 : i32 to index
      %swap3A_366 = arith.constant 32 : index
      %swap3A_367 = tpu.vector_load %arg6[%swap3A_364, %swap3A_365, %swap3A_366] {strides = array<i32>} : memref<2x200x128xf32, #tpu.memory_space<vmem>>, vector<1x1x16xf32>,
      %swap3A_368 = vector.shape_cast %swap3A_367 : vector<1x1x16xf32> to vector<16xf32>
      %swap3A_369 = vector.shape_cast %mul3A_362 : vector<16xf32> to vector<1x1x16xf32>
      tpu.vector_store %arg6[%swap3A_364, %swap3A_365, %swap3A_366], %swap3A_369 {strides = array<i32>} : memref<2x200x128xf32, #tpu.memory_space<vmem>>, vector<1x1x16xf32>,
      %get3A_370 = arith.constant 1 : i32
      %get3A_371 = arith.index_cast %get3A_370 : i32 to index
      %get3A_372 = arith.index_cast %scan3A_317 : i32 to index
      %get3A_373 = arith.constant 48 : index
      %get3A_374 = tpu.vector_load %arg6[%get3A_371, %get3A_372, %get3A_373] {strides = array<i32>} : memref<2x200x128xf32, #tpu.memory_space<vmem>>, vector<1x1x16xf32>,
      %get3A_375 = vector.shape_cast %get3A_374 : vector<1x1x16xf32> to vector<16xf32>
      %mul3A_376 = arith.mulf %get3A_375, %get3A_11 : vector<16xf32>
      %max3A_377 = arith.constant 0.000000e+00 : f32
      %max3A_378 = vector.broadcast %max3A_377 : f32 to vector<16xf32>
      %max3A_379 = arith.maximumf %mul3A_376, %max3A_378 : vector<16xf32>
      %mul3A_380 = arith.mulf %max3A_379, %get3A_35 : vector<16xf32>
      %swap3A_381 = arith.constant 1 : i32
      %swap3A_382 = arith.index_cast %swap3A_381 : i32 to index
      %swap3A_383 = arith.index_cast %scan3A_317 : i32 to index
      %swap3A_384 = arith.constant 48 : index
      %swap3A_385 = tpu.vector_load %arg6[%swap3A_382, %swap3A_383, %swap3A_384] {strides = array<i32>} : memref<2x200x128xf32, #tpu.memory_space<vmem>>, vector<1x1x16xf32>,
      %swap3A_386 = vector.shape_cast %swap3A_385 : vector<1x1x16xf32> to vector<16xf32>
      %swap3A_387 = vector.shape_cast %mul3A_380 : vector<16xf32> to vector<1x1x16xf32>
      tpu.vector_store %arg6[%swap3A_382, %swap3A_383, %swap3A_384], %swap3A_387 {strides = array<i32>} : memref<2x200x128xf32, #tpu.memory_space<vmem>>, vector<1x1x16xf32>,
      %get3A_388 = arith.constant 1 : i32
      %get3A_389 = arith.index_cast %get3A_388 : i32 to index
      %get3A_390 = arith.index_cast %scan3A_317 : i32 to index
      %get3A_391 = arith.constant 64 : index
      %get3A_392 = tpu.vector_load %arg6[%get3A_389, %get3A_390, %get3A_391] {strides = array<i32>} : memref<2x200x128xf32, #tpu.memory_space<vmem>>, vector<1x1x16xf32>,
      %get3A_393 = vector.shape_cast %get3A_392 : vector<1x1x16xf32> to vector<16xf32>
      %mul3A_394 = arith.mulf %get3A_393, %get3A_14 : vector<16xf32>
      %max3A_395 = arith.constant 0.000000e+00 : f32
      %max3A_396 = vector.broadcast %max3A_395 : f32 to vector<16xf32>
      %max3A_397 = arith.maximumf %mul3A_394, %max3A_396 : vector<16xf32>
      %mul3A_398 = arith.mulf %max3A_397, %get3A_38 : vector<16xf32>
      %swap3A_399 = arith.constant 1 : i32
      %swap3A_400 = arith.index_cast %swap3A_399 : i32 to index
      %swap3A_401 = arith.index_cast %scan3A_317 : i32 to index
      %swap3A_402 = arith.constant 64 : index
      %swap3A_403 = tpu.vector_load %arg6[%swap3A_400, %swap3A_401, %swap3A_402] {strides = array<i32>} : memref<2x200x128xf32, #tpu.memory_space<vmem>>, vector<1x1x16xf32>,
      %swap3A_404 = vector.shape_cast %swap3A_403 : vector<1x1x16xf32> to vector<16xf32>
      %swap3A_405 = vector.shape_cast %mul3A_398 : vector<16xf32> to vector<1x1x16xf32>
      tpu.vector_store %arg6[%swap3A_400, %swap3A_401, %swap3A_402], %swap3A_405 {strides = array<i32>} : memref<2x200x128xf32, #tpu.memory_space<vmem>>, vector<1x1x16xf32>,
      %get3A_406 = arith.constant 1 : i32
      %get3A_407 = arith.index_cast %get3A_406 : i32 to index
      %get3A_408 = arith.index_cast %scan3A_317 : i32 to index
      %get3A_409 = arith.constant 80 : index
      %get3A_410 = tpu.vector_load %arg6[%get3A_407, %get3A_408, %get3A_409] {strides = array<i32>} : memref<2x200x128xf32, #tpu.memory_space<vmem>>, vector<1x1x16xf32>,
      %get3A_411 = vector.shape_cast %get3A_410 : vector<1x1x16xf32> to vector<16xf32>
      %mul3A_412 = arith.mulf %get3A_411, %get3A_17 : vector<16xf32>
      %max3A_413 = arith.constant 0.000000e+00 : f32
      %max3A_414 = vector.broadcast %max3A_413 : f32 to vector<16xf32>
      %max3A_415 = arith.maximumf %mul3A_412, %max3A_414 : vector<16xf32>
      %mul3A_416 = arith.mulf %max3A_415, %get3A_41 : vector<16xf32>
      %swap3A_417 = arith.constant 1 : i32
      %swap3A_418 = arith.index_cast %swap3A_417 : i32 to index
      %swap3A_419 = arith.index_cast %scan3A_317 : i32 to index
      %swap3A_420 = arith.constant 80 : index
      %swap3A_421 = tpu.vector_load %arg6[%swap3A_418, %swap3A_419, %swap3A_420] {strides = array<i32>} : memref<2x200x128xf32, #tpu.memory_space<vmem>>, vector<1x1x16xf32>,
      %swap3A_422 = vector.shape_cast %swap3A_421 : vector<1x1x16xf32> to vector<16xf32>
      %swap3A_423 = vector.shape_cast %mul3A_416 : vector<16xf32> to vector<1x1x16xf32>
      tpu.vector_store %arg6[%swap3A_418, %swap3A_419, %swap3A_420], %swap3A_423 {strides = array<i32>} : memref<2x200x128xf32, #tpu.memory_space<vmem>>, vector<1x1x16xf32>,
      %get3A_424 = arith.constant 1 : i32
      %get3A_425 = arith.index_cast %get3A_424 : i32 to index
      %get3A_426 = arith.index_cast %scan3A_317 : i32 to index
      %get3A_427 = arith.constant 96 : index
      %get3A_428 = tpu.vector_load %arg6[%get3A_425, %get3A_426, %get3A_427] {strides = array<i32>} : memref<2x200x128xf32, #tpu.memory_space<vmem>>, vector<1x1x16xf32>,
      %get3A_429 = vector.shape_cast %get3A_428 : vector<1x1x16xf32> to vector<16xf32>
      %mul3A_430 = arith.mulf %get3A_429, %get3A_20 : vector<16xf32>
      %max3A_431 = arith.constant 0.000000e+00 : f32
      %max3A_432 = vector.broadcast %max3A_431 : f32 to vector<16xf32>
      %max3A_433 = arith.maximumf %mul3A_430, %max3A_432 : vector<16xf32>
      %mul3A_434 = arith.mulf %max3A_433, %get3A_44 : vector<16xf32>
      %swap3A_435 = arith.constant 1 : i32
      %swap3A_436 = arith.index_cast %swap3A_435 : i32 to index
      %swap3A_437 = arith.index_cast %scan3A_317 : i32 to index
      %swap3A_438 = arith.constant 96 : index
      %swap3A_439 = tpu.vector_load %arg6[%swap3A_436, %swap3A_437, %swap3A_438] {strides = array<i32>} : memref<2x200x128xf32, #tpu.memory_space<vmem>>, vector<1x1x16xf32>,
      %swap3A_440 = vector.shape_cast %swap3A_439 : vector<1x1x16xf32> to vector<16xf32>
      %swap3A_441 = vector.shape_cast %mul3A_434 : vector<16xf32> to vector<1x1x16xf32>
      tpu.vector_store %arg6[%swap3A_436, %swap3A_437, %swap3A_438], %swap3A_441 {strides = array<i32>} : memref<2x200x128xf32, #tpu.memory_space<vmem>>, vector<1x1x16xf32>,
      %get3A_442 = arith.constant 1 : i32
      %get3A_443 = arith.index_cast %get3A_442 : i32 to index
      %get3A_444 = arith.index_cast %scan3A_317 : i32 to index
      %get3A_445 = arith.constant 112 : index
      %get3A_446 = tpu.vector_load %arg6[%get3A_443, %get3A_444, %get3A_445] {strides = array<i32>} : memref<2x200x128xf32, #tpu.memory_space<vmem>>, vector<1x1x16xf32>,
      %get3A_447 = vector.shape_cast %get3A_446 : vector<1x1x16xf32> to vector<16xf32>
      %mul3A_448 = arith.mulf %get3A_447, %get3A_23 : vector<16xf32>
      %max3A_449 = arith.constant 0.000000e+00 : f32
      %max3A_450 = vector.broadcast %max3A_449 : f32 to vector<16xf32>
      %max3A_451 = arith.maximumf %mul3A_448, %max3A_450 : vector<16xf32>
      %mul3A_452 = arith.mulf %max3A_451, %get3A_47 : vector<16xf32>
      %swap3A_453 = arith.constant 1 : i32
      %swap3A_454 = arith.index_cast %swap3A_453 : i32 to index
      %swap3A_455 = arith.index_cast %scan3A_317 : i32 to index
      %swap3A_456 = arith.constant 112 : index
      %swap3A_457 = tpu.vector_load %arg6[%swap3A_454, %swap3A_455, %swap3A_456] {strides = array<i32>} : memref<2x200x128xf32, #tpu.memory_space<vmem>>, vector<1x1x16xf32>,
      %swap3A_458 = vector.shape_cast %swap3A_457 : vector<1x1x16xf32> to vector<16xf32>
      %swap3A_459 = vector.shape_cast %mul3A_452 : vector<16xf32> to vector<1x1x16xf32>
      tpu.vector_store %arg6[%swap3A_454, %swap3A_455, %swap3A_456], %swap3A_459 {strides = array<i32>} : memref<2x200x128xf32, #tpu.memory_space<vmem>>, vector<1x1x16xf32>,
    }
    %scan3A_206 = arith.constant 200 : i32
    %add3A_207 = arith.constant 32 : i32
    %add3A_208 = arith.addi %add3A_207, %add3A : i32
    %mul3A_209 = arith.constant 200 : i32
    %mul3A_210 = arith.muli %add3A_208, %mul3A_209 : i32
    %dma_start3A_211 = arith.constant 1 : i32
    %dma_start3A_212 = arith.constant 3 : i32
    %dma_start3A_213 = arith.constant 0 : i32
    %dma_start3A_214 = arith.constant 0 : i32
    %dma_start3A_215 = tpu.memref_slice %arg6[%dma_start3A_211, %dma_start3A_213, %dma_start3A_214] : memref<2x200x128xf32, #tpu.memory_space<vmem>> -> memref<1x200x128xf32, #tpu.memory_space<vmem>>
    %dma_start3A_216 = tpu.memref_squeeze %dma_start3A_215 : memref<1x200x128xf32, #tpu.memory_space<vmem>> -> memref<200x128xf32, #tpu.memory_space<vmem>>
    %dma_start3A_217 = arith.constant 0 : i32
    %dma_start3A_218 = tpu.memref_slice %arg5[%mul3A_210, %dma_start3A_217] : memref<25000x128xf32, #tpu.memory_space<hbm>> -> memref<200x128xf32, #tpu.memory_space<hbm>>
    %dma_start3A_219 = tpu.memref_slice %arg9[%dma_start3A_212] : memref<4x!tpu.dma_semaphore, #tpu.memory_space<semaphore_mem>> -> memref<1x!tpu.dma_semaphore, #tpu.memory_space<semaphore_mem>>
    %dma_start3A_220 = tpu.memref_squeeze %dma_start3A_219 : memref<1x!tpu.dma_semaphore, #tpu.memory_space<semaphore_mem>> -> memref<!tpu.dma_semaphore, #tpu.memory_space<semaphore_mem>>
    %dma_start3A_221 = arith.constant 0 : i32
    %dma_start3A_222 = tpu.memref_slice %arg5[%mul3A_210, %dma_start3A_221] : memref<25000x128xf32, #tpu.memory_space<hbm>> -> memref<200x128xf32, #tpu.memory_space<hbm>>
    %dma_start3A_223 = arith.constant 0 : i32
    %dma_start3A_224 = arith.constant 0 : i32
    %dma_start3A_225 = tpu.memref_slice %arg6[%dma_start3A_211, %dma_start3A_223, %dma_start3A_224] : memref<2x200x128xf32, #tpu.memory_space<vmem>> -> memref<1x200x128xf32, #tpu.memory_space<vmem>>
    %dma_start3A_226 = tpu.memref_squeeze %dma_start3A_225 : memref<1x200x128xf32, #tpu.memory_space<vmem>> -> memref<200x128xf32, #tpu.memory_space<vmem>>
    tpu.enqueue_dma source(%dma_start3A_226 : memref<200x128xf32, #tpu.memory_space<vmem>>) target(%dma_start3A_222 : memref<200x128xf32, #tpu.memory_space<hbm>>) target_semaphore(%dma_start3A_220 : memref<!tpu.dma_semaphore, #tpu.memory_space<semaphore_mem>>)
    %add3A_227 = arith.constant 64 : i32
    %add3A_228 = arith.addi %add3A_227, %add3A : i32
    %mul3A_229 = arith.constant 200 : i32
    %mul3A_230 = arith.muli %add3A_228, %mul3A_229 : i32
    %add3A_231 = arith.constant 75000 : i32
    %add3A_232 = arith.addi %add3A_231, %mul3A_230 : i32
    %dma_wait3A_233 = arith.constant 0 : i32
    %dma_wait3A_234 = arith.constant 0 : i32
    %dma_wait3A_235 = arith.constant 0 : i32
    %dma_wait3A_236 = arith.constant 0 : i32
    %dma_wait3A_237 = tpu.memref_slice %arg6[%dma_wait3A_233, %dma_wait3A_235, %dma_wait3A_236] : memref<2x200x128xf32, #tpu.memory_space<vmem>> -> memref<1x200x128xf32, #tpu.memory_space<vmem>>
    %dma_wait3A_238 = tpu.memref_squeeze %dma_wait3A_237 : memref<1x200x128xf32, #tpu.memory_space<vmem>> -> memref<200x128xf32, #tpu.memory_space<vmem>>
    %dma_wait3A_239 = arith.constant 0 : i32
    %dma_wait3A_240 = tpu.memref_slice %arg2[%add3A_232, %dma_wait3A_239] : memref<100000x128xf32, #tpu.memory_space<hbm>> -> memref<200x128xf32, #tpu.memory_space<hbm>>
    %dma_wait3A_241 = tpu.memref_slice %arg9[%dma_wait3A_234] : memref<4x!tpu.dma_semaphore, #tpu.memory_space<semaphore_mem>> -> memref<1x!tpu.dma_semaphore, #tpu.memory_space<semaphore_mem>>
    %dma_wait3A_242 = tpu.memref_squeeze %dma_wait3A_241 : memref<1x!tpu.dma_semaphore, #tpu.memory_space<semaphore_mem>> -> memref<!tpu.dma_semaphore, #tpu.memory_space<semaphore_mem>>
    %dma_wait3A_243 = arith.constant 0 : i32
    %dma_wait3A_244 = arith.constant 0 : i32
    %dma_wait3A_245 = tpu.memref_slice %arg6[%dma_wait3A_233, %dma_wait3A_243, %dma_wait3A_244] : memref<2x200x128xf32, #tpu.memory_space<vmem>> -> memref<1x200x128xf32, #tpu.memory_space<vmem>>
    %dma_wait3A_246 = tpu.memref_squeeze %dma_wait3A_245 : memref<1x200x128xf32, #tpu.memory_space<vmem>> -> memref<200x128xf32, #tpu.memory_space<vmem>>
    %dma_wait3A_247 = arith.constant 0 : i32
    %dma_wait3A_248 = tpu.memref_slice %arg2[%add3A_232, %dma_wait3A_247] : memref<100000x128xf32, #tpu.memory_space<hbm>> -> memref<200x128xf32, #tpu.memory_space<hbm>>
    tpu.wait_dma2 semaphore(%dma_wait3A_242 : memref<!tpu.dma_semaphore, #tpu.memory_space<semaphore_mem>>) src(%dma_wait3A_248 : memref<200x128xf32, #tpu.memory_space<hbm>>) dst(%dma_wait3A_246 : memref<200x128xf32, #tpu.memory_space<vmem>>)
    %scan3A_249 = arith.constant 0 : i32
    %scan3A_250 = arith.constant 0 : i32
    %scan3A_251 = arith.constant 200 : i32
    %scan3A_252 = arith.addi %scan3A_250, %scan3A_251 : i32
    %scan3A_253 = arith.constant 1 : i32
    scf.for %scan3A_317 = %scan3A_250 to %scan3A_252 step %scan3A_253  : i32 {
      %get3A_318 = arith.constant 0 : i32
      %get3A_319 = arith.index_cast %get3A_318 : i32 to index
      %get3A_320 = arith.index_cast %scan3A_317 : i32 to index
      %get3A_321 = arith.constant 0 : index
      %get3A_322 = tpu.vector_load %arg6[%get3A_319, %get3A_320, %get3A_321] {strides = array<i32>} : memref<2x200x128xf32, #tpu.memory_space<vmem>>, vector<1x1x16xf32>,
      %get3A_323 = vector.shape_cast %get3A_322 : vector<1x1x16xf32> to vector<16xf32>
      %mul3A_324 = arith.mulf %get3A_323, %get3A_2 : vector<16xf32>
      %max3A = arith.constant 0.000000e+00 : f32
      %max3A_325 = vector.broadcast %max3A : f32 to vector<16xf32>
      %max3A_326 = arith.maximumf %mul3A_324, %max3A_325 : vector<16xf32>
      %mul3A_327 = arith.mulf %max3A_326, %get3A_26 : vector<16xf32>
      %swap3A = arith.constant 0 : i32
      %swap3A_328 = arith.index_cast %swap3A : i32 to index
      %swap3A_329 = arith.index_cast %scan3A_317 : i32 to index
      %swap3A_330 = arith.constant 0 : index
      %swap3A_331 = tpu.vector_load %arg6[%swap3A_328, %swap3A_329, %swap3A_330] {strides = array<i32>} : memref<2x200x128xf32, #tpu.memory_space<vmem>>, vector<1x1x16xf32>,
      %swap3A_332 = vector.shape_cast %swap3A_331 : vector<1x1x16xf32> to vector<16xf32>
      %swap3A_333 = vector.shape_cast %mul3A_327 : vector<16xf32> to vector<1x1x16xf32>
      tpu.vector_store %arg6[%swap3A_328, %swap3A_329, %swap3A_330], %swap3A_333 {strides = array<i32>} : memref<2x200x128xf32, #tpu.memory_space<vmem>>, vector<1x1x16xf32>,
      %get3A_334 = arith.constant 0 : i32
      %get3A_335 = arith.index_cast %get3A_334 : i32 to index
      %get3A_336 = arith.index_cast %scan3A_317 : i32 to index
      %get3A_337 = arith.constant 16 : index
      %get3A_338 = tpu.vector_load %arg6[%get3A_335, %get3A_336, %get3A_337] {strides = array<i32>} : memref<2x200x128xf32, #tpu.memory_space<vmem>>, vector<1x1x16xf32>,
      %get3A_339 = vector.shape_cast %get3A_338 : vector<1x1x16xf32> to vector<16xf32>
      %mul3A_340 = arith.mulf %get3A_339, %get3A_5 : vector<16xf32>
      %max3A_341 = arith.constant 0.000000e+00 : f32
      %max3A_342 = vector.broadcast %max3A_341 : f32 to vector<16xf32>
      %max3A_343 = arith.maximumf %mul3A_340, %max3A_342 : vector<16xf32>
      %mul3A_344 = arith.mulf %max3A_343, %get3A_29 : vector<16xf32>
      %swap3A_345 = arith.constant 0 : i32
      %swap3A_346 = arith.index_cast %swap3A_345 : i32 to index
      %swap3A_347 = arith.index_cast %scan3A_317 : i32 to index
      %swap3A_348 = arith.constant 16 : index
      %swap3A_349 = tpu.vector_load %arg6[%swap3A_346, %swap3A_347, %swap3A_348] {strides = array<i32>} : memref<2x200x128xf32, #tpu.memory_space<vmem>>, vector<1x1x16xf32>,
      %swap3A_350 = vector.shape_cast %swap3A_349 : vector<1x1x16xf32> to vector<16xf32>
      %swap3A_351 = vector.shape_cast %mul3A_344 : vector<16xf32> to vector<1x1x16xf32>
      tpu.vector_store %arg6[%swap3A_346, %swap3A_347, %swap3A_348], %swap3A_351 {strides = array<i32>} : memref<2x200x128xf32, #tpu.memory_space<vmem>>, vector<1x1x16xf32>,
      %get3A_352 = arith.constant 0 : i32
      %get3A_353 = arith.index_cast %get3A_352 : i32 to index
      %get3A_354 = arith.index_cast %scan3A_317 : i32 to index
      %get3A_355 = arith.constant 32 : index
      %get3A_356 = tpu.vector_load %arg6[%get3A_353, %get3A_354, %get3A_355] {strides = array<i32>} : memref<2x200x128xf32, #tpu.memory_space<vmem>>, vector<1x1x16xf32>,
      %get3A_357 = vector.shape_cast %get3A_356 : vector<1x1x16xf32> to vector<16xf32>
      %mul3A_358 = arith.mulf %get3A_357, %get3A_8 : vector<16xf32>
      %max3A_359 = arith.constant 0.000000e+00 : f32
      %max3A_360 = vector.broadcast %max3A_359 : f32 to vector<16xf32>
      %max3A_361 = arith.maximumf %mul3A_358, %max3A_360 : vector<16xf32>
      %mul3A_362 = arith.mulf %max3A_361, %get3A_32 : vector<16xf32>
      %swap3A_363 = arith.constant 0 : i32
      %swap3A_364 = arith.index_cast %swap3A_363 : i32 to index
      %swap3A_365 = arith.index_cast %scan3A_317 : i32 to index
      %swap3A_366 = arith.constant 32 : index
      %swap3A_367 = tpu.vector_load %arg6[%swap3A_364, %swap3A_365, %swap3A_366] {strides = array<i32>} : memref<2x200x128xf32, #tpu.memory_space<vmem>>, vector<1x1x16xf32>,
      %swap3A_368 = vector.shape_cast %swap3A_367 : vector<1x1x16xf32> to vector<16xf32>
      %swap3A_369 = vector.shape_cast %mul3A_362 : vector<16xf32> to vector<1x1x16xf32>
      tpu.vector_store %arg6[%swap3A_364, %swap3A_365, %swap3A_366], %swap3A_369 {strides = array<i32>} : memref<2x200x128xf32, #tpu.memory_space<vmem>>, vector<1x1x16xf32>,
      %get3A_370 = arith.constant 0 : i32
      %get3A_371 = arith.index_cast %get3A_370 : i32 to index
      %get3A_372 = arith.index_cast %scan3A_317 : i32 to index
      %get3A_373 = arith.constant 48 : index
      %get3A_374 = tpu.vector_load %arg6[%get3A_371, %get3A_372, %get3A_373] {strides = array<i32>} : memref<2x200x128xf32, #tpu.memory_space<vmem>>, vector<1x1x16xf32>,
      %get3A_375 = vector.shape_cast %get3A_374 : vector<1x1x16xf32> to vector<16xf32>
      %mul3A_376 = arith.mulf %get3A_375, %get3A_11 : vector<16xf32>
      %max3A_377 = arith.constant 0.000000e+00 : f32
      %max3A_378 = vector.broadcast %max3A_377 : f32 to vector<16xf32>
      %max3A_379 = arith.maximumf %mul3A_376, %max3A_378 : vector<16xf32>
      %mul3A_380 = arith.mulf %max3A_379, %get3A_35 : vector<16xf32>
      %swap3A_381 = arith.constant 0 : i32
      %swap3A_382 = arith.index_cast %swap3A_381 : i32 to index
      %swap3A_383 = arith.index_cast %scan3A_317 : i32 to index
      %swap3A_384 = arith.constant 48 : index
      %swap3A_385 = tpu.vector_load %arg6[%swap3A_382, %swap3A_383, %swap3A_384] {strides = array<i32>} : memref<2x200x128xf32, #tpu.memory_space<vmem>>, vector<1x1x16xf32>,
      %swap3A_386 = vector.shape_cast %swap3A_385 : vector<1x1x16xf32> to vector<16xf32>
      %swap3A_387 = vector.shape_cast %mul3A_380 : vector<16xf32> to vector<1x1x16xf32>
      tpu.vector_store %arg6[%swap3A_382, %swap3A_383, %swap3A_384], %swap3A_387 {strides = array<i32>} : memref<2x200x128xf32, #tpu.memory_space<vmem>>, vector<1x1x16xf32>,
      %get3A_388 = arith.constant 0 : i32
      %get3A_389 = arith.index_cast %get3A_388 : i32 to index
      %get3A_390 = arith.index_cast %scan3A_317 : i32 to index
      %get3A_391 = arith.constant 64 : index
      %get3A_392 = tpu.vector_load %arg6[%get3A_389, %get3A_390, %get3A_391] {strides = array<i32>} : memref<2x200x128xf32, #tpu.memory_space<vmem>>, vector<1x1x16xf32>,
      %get3A_393 = vector.shape_cast %get3A_392 : vector<1x1x16xf32> to vector<16xf32>
      %mul3A_394 = arith.mulf %get3A_393, %get3A_14 : vector<16xf32>
      %max3A_395 = arith.constant 0.000000e+00 : f32
      %max3A_396 = vector.broadcast %max3A_395 : f32 to vector<16xf32>
      %max3A_397 = arith.maximumf %mul3A_394, %max3A_396 : vector<16xf32>
      %mul3A_398 = arith.mulf %max3A_397, %get3A_38 : vector<16xf32>
      %swap3A_399 = arith.constant 0 : i32
      %swap3A_400 = arith.index_cast %swap3A_399 : i32 to index
      %swap3A_401 = arith.index_cast %scan3A_317 : i32 to index
      %swap3A_402 = arith.constant 64 : index
      %swap3A_403 = tpu.vector_load %arg6[%swap3A_400, %swap3A_401, %swap3A_402] {strides = array<i32>} : memref<2x200x128xf32, #tpu.memory_space<vmem>>, vector<1x1x16xf32>,
      %swap3A_404 = vector.shape_cast %swap3A_403 : vector<1x1x16xf32> to vector<16xf32>
      %swap3A_405 = vector.shape_cast %mul3A_398 : vector<16xf32> to vector<1x1x16xf32>
      tpu.vector_store %arg6[%swap3A_400, %swap3A_401, %swap3A_402], %swap3A_405 {strides = array<i32>} : memref<2x200x128xf32, #tpu.memory_space<vmem>>, vector<1x1x16xf32>,
      %get3A_406 = arith.constant 0 : i32
      %get3A_407 = arith.index_cast %get3A_406 : i32 to index
      %get3A_408 = arith.index_cast %scan3A_317 : i32 to index
      %get3A_409 = arith.constant 80 : index
      %get3A_410 = tpu.vector_load %arg6[%get3A_407, %get3A_408, %get3A_409] {strides = array<i32>} : memref<2x200x128xf32, #tpu.memory_space<vmem>>, vector<1x1x16xf32>,
      %get3A_411 = vector.shape_cast %get3A_410 : vector<1x1x16xf32> to vector<16xf32>
      %mul3A_412 = arith.mulf %get3A_411, %get3A_17 : vector<16xf32>
      %max3A_413 = arith.constant 0.000000e+00 : f32
      %max3A_414 = vector.broadcast %max3A_413 : f32 to vector<16xf32>
      %max3A_415 = arith.maximumf %mul3A_412, %max3A_414 : vector<16xf32>
      %mul3A_416 = arith.mulf %max3A_415, %get3A_41 : vector<16xf32>
      %swap3A_417 = arith.constant 0 : i32
      %swap3A_418 = arith.index_cast %swap3A_417 : i32 to index
      %swap3A_419 = arith.index_cast %scan3A_317 : i32 to index
      %swap3A_420 = arith.constant 80 : index
      %swap3A_421 = tpu.vector_load %arg6[%swap3A_418, %swap3A_419, %swap3A_420] {strides = array<i32>} : memref<2x200x128xf32, #tpu.memory_space<vmem>>, vector<1x1x16xf32>,
      %swap3A_422 = vector.shape_cast %swap3A_421 : vector<1x1x16xf32> to vector<16xf32>
      %swap3A_423 = vector.shape_cast %mul3A_416 : vector<16xf32> to vector<1x1x16xf32>
      tpu.vector_store %arg6[%swap3A_418, %swap3A_419, %swap3A_420], %swap3A_423 {strides = array<i32>} : memref<2x200x128xf32, #tpu.memory_space<vmem>>, vector<1x1x16xf32>,
      %get3A_424 = arith.constant 0 : i32
      %get3A_425 = arith.index_cast %get3A_424 : i32 to index
      %get3A_426 = arith.index_cast %scan3A_317 : i32 to index
      %get3A_427 = arith.constant 96 : index
      %get3A_428 = tpu.vector_load %arg6[%get3A_425, %get3A_426, %get3A_427] {strides = array<i32>} : memref<2x200x128xf32, #tpu.memory_space<vmem>>, vector<1x1x16xf32>,
      %get3A_429 = vector.shape_cast %get3A_428 : vector<1x1x16xf32> to vector<16xf32>
      %mul3A_430 = arith.mulf %get3A_429, %get3A_20 : vector<16xf32>
      %max3A_431 = arith.constant 0.000000e+00 : f32
      %max3A_432 = vector.broadcast %max3A_431 : f32 to vector<16xf32>
      %max3A_433 = arith.maximumf %mul3A_430, %max3A_432 : vector<16xf32>
      %mul3A_434 = arith.mulf %max3A_433, %get3A_44 : vector<16xf32>
      %swap3A_435 = arith.constant 0 : i32
      %swap3A_436 = arith.index_cast %swap3A_435 : i32 to index
      %swap3A_437 = arith.index_cast %scan3A_317 : i32 to index
      %swap3A_438 = arith.constant 96 : index
      %swap3A_439 = tpu.vector_load %arg6[%swap3A_436, %swap3A_437, %swap3A_438] {strides = array<i32>} : memref<2x200x128xf32, #tpu.memory_space<vmem>>, vector<1x1x16xf32>,
      %swap3A_440 = vector.shape_cast %swap3A_439 : vector<1x1x16xf32> to vector<16xf32>
      %swap3A_441 = vector.shape_cast %mul3A_434 : vector<16xf32> to vector<1x1x16xf32>
      tpu.vector_store %arg6[%swap3A_436, %swap3A_437, %swap3A_438], %swap3A_441 {strides = array<i32>} : memref<2x200x128xf32, #tpu.memory_space<vmem>>, vector<1x1x16xf32>,
      %get3A_442 = arith.constant 0 : i32
      %get3A_443 = arith.index_cast %get3A_442 : i32 to index
      %get3A_444 = arith.index_cast %scan3A_317 : i32 to index
      %get3A_445 = arith.constant 112 : index
      %get3A_446 = tpu.vector_load %arg6[%get3A_443, %get3A_444, %get3A_445] {strides = array<i32>} : memref<2x200x128xf32, #tpu.memory_space<vmem>>, vector<1x1x16xf32>,
      %get3A_447 = vector.shape_cast %get3A_446 : vector<1x1x16xf32> to vector<16xf32>
      %mul3A_448 = arith.mulf %get3A_447, %get3A_23 : vector<16xf32>
      %max3A_449 = arith.constant 0.000000e+00 : f32
      %max3A_450 = vector.broadcast %max3A_449 : f32 to vector<16xf32>
      %max3A_451 = arith.maximumf %mul3A_448, %max3A_450 : vector<16xf32>
      %mul3A_452 = arith.mulf %max3A_451, %get3A_47 : vector<16xf32>
      %swap3A_453 = arith.constant 0 : i32
      %swap3A_454 = arith.index_cast %swap3A_453 : i32 to index
      %swap3A_455 = arith.index_cast %scan3A_317 : i32 to index
      %swap3A_456 = arith.constant 112 : index
      %swap3A_457 = tpu.vector_load %arg6[%swap3A_454, %swap3A_455, %swap3A_456] {strides = array<i32>} : memref<2x200x128xf32, #tpu.memory_space<vmem>>, vector<1x1x16xf32>,
      %swap3A_458 = vector.shape_cast %swap3A_457 : vector<1x1x16xf32> to vector<16xf32>
      %swap3A_459 = vector.shape_cast %mul3A_452 : vector<16xf32> to vector<1x1x16xf32>
      tpu.vector_store %arg6[%swap3A_454, %swap3A_455, %swap3A_456], %swap3A_459 {strides = array<i32>} : memref<2x200x128xf32, #tpu.memory_space<vmem>>, vector<1x1x16xf32>,
    }
    %scan3A_254 = arith.constant 200 : i32
    %add3A_255 = arith.constant 64 : i32
    %add3A_256 = arith.addi %add3A_255, %add3A : i32
    %mul3A_257 = arith.constant 200 : i32
    %mul3A_258 = arith.muli %add3A_256, %mul3A_257 : i32
    %dma_start3A_259 = arith.constant 0 : i32
    %dma_start3A_260 = arith.constant 2 : i32
    %dma_start3A_261 = arith.constant 0 : i32
    %dma_start3A_262 = arith.constant 0 : i32
    %dma_start3A_263 = tpu.memref_slice %arg6[%dma_start3A_259, %dma_start3A_261, %dma_start3A_262] : memref<2x200x128xf32, #tpu.memory_space<vmem>> -> memref<1x200x128xf32, #tpu.memory_space<vmem>>
    %dma_start3A_264 = tpu.memref_squeeze %dma_start3A_263 : memref<1x200x128xf32, #tpu.memory_space<vmem>> -> memref<200x128xf32, #tpu.memory_space<vmem>>
    %dma_start3A_265 = arith.constant 0 : i32
    %dma_start3A_266 = tpu.memref_slice %arg5[%mul3A_258, %dma_start3A_265] : memref<25000x128xf32, #tpu.memory_space<hbm>> -> memref<200x128xf32, #tpu.memory_space<hbm>>
    %dma_start3A_267 = tpu.memref_slice %arg9[%dma_start3A_260] : memref<4x!tpu.dma_semaphore, #tpu.memory_space<semaphore_mem>> -> memref<1x!tpu.dma_semaphore, #tpu.memory_space<semaphore_mem>>
    %dma_start3A_268 = tpu.memref_squeeze %dma_start3A_267 : memref<1x!tpu.dma_semaphore, #tpu.memory_space<semaphore_mem>> -> memref<!tpu.dma_semaphore, #tpu.memory_space<semaphore_mem>>
    %dma_start3A_269 = arith.constant 0 : i32
    %dma_start3A_270 = tpu.memref_slice %arg5[%mul3A_258, %dma_start3A_269] : memref<25000x128xf32, #tpu.memory_space<hbm>> -> memref<200x128xf32, #tpu.memory_space<hbm>>
    %dma_start3A_271 = arith.constant 0 : i32
    %dma_start3A_272 = arith.constant 0 : i32
    %dma_start3A_273 = tpu.memref_slice %arg6[%dma_start3A_259, %dma_start3A_271, %dma_start3A_272] : memref<2x200x128xf32, #tpu.memory_space<vmem>> -> memref<1x200x128xf32, #tpu.memory_space<vmem>>
    %dma_start3A_274 = tpu.memref_squeeze %dma_start3A_273 : memref<1x200x128xf32, #tpu.memory_space<vmem>> -> memref<200x128xf32, #tpu.memory_space<vmem>>
    tpu.enqueue_dma source(%dma_start3A_274 : memref<200x128xf32, #tpu.memory_space<vmem>>) target(%dma_start3A_270 : memref<200x128xf32, #tpu.memory_space<hbm>>) target_semaphore(%dma_start3A_268 : memref<!tpu.dma_semaphore, #tpu.memory_space<semaphore_mem>>)
    %add3A_275 = arith.constant 64 : i32
    %add3A_276 = arith.addi %add3A_275, %add3A : i32
    %mul3A_277 = arith.constant 200 : i32
    %mul3A_278 = arith.muli %add3A_276, %mul3A_277 : i32
    %dma_wait3A_279 = arith.constant 1 : i32
    %dma_wait3A_280 = arith.constant 3 : i32
    %dma_wait3A_281 = arith.constant 0 : i32
    %dma_wait3A_282 = arith.constant 0 : i32
    %dma_wait3A_283 = tpu.memref_slice %arg6[%dma_wait3A_279, %dma_wait3A_281, %dma_wait3A_282] : memref<2x200x128xf32, #tpu.memory_space<vmem>> -> memref<1x200x128xf32, #tpu.memory_space<vmem>>
    %dma_wait3A_284 = tpu.memref_squeeze %dma_wait3A_283 : memref<1x200x128xf32, #tpu.memory_space<vmem>> -> memref<200x128xf32, #tpu.memory_space<vmem>>
    %dma_wait3A_285 = arith.constant 0 : i32
    %dma_wait3A_286 = tpu.memref_slice %arg5[%mul3A_278, %dma_wait3A_285] : memref<25000x128xf32, #tpu.memory_space<hbm>> -> memref<200x128xf32, #tpu.memory_space<hbm>>
    %dma_wait3A_287 = tpu.memref_slice %arg9[%dma_wait3A_280] : memref<4x!tpu.dma_semaphore, #tpu.memory_space<semaphore_mem>> -> memref<1x!tpu.dma_semaphore, #tpu.memory_space<semaphore_mem>>
    %dma_wait3A_288 = tpu.memref_squeeze %dma_wait3A_287 : memref<1x!tpu.dma_semaphore, #tpu.memory_space<semaphore_mem>> -> memref<!tpu.dma_semaphore, #tpu.memory_space<semaphore_mem>>
    %dma_wait3A_289 = arith.constant 0 : i32
    %dma_wait3A_290 = tpu.memref_slice %arg5[%mul3A_278, %dma_wait3A_289] : memref<25000x128xf32, #tpu.memory_space<hbm>> -> memref<200x128xf32, #tpu.memory_space<hbm>>
    %dma_wait3A_291 = arith.constant 0 : i32
    %dma_wait3A_292 = arith.constant 0 : i32
    %dma_wait3A_293 = tpu.memref_slice %arg6[%dma_wait3A_279, %dma_wait3A_291, %dma_wait3A_292] : memref<2x200x128xf32, #tpu.memory_space<vmem>> -> memref<1x200x128xf32, #tpu.memory_space<vmem>>
    %dma_wait3A_294 = tpu.memref_squeeze %dma_wait3A_293 : memref<1x200x128xf32, #tpu.memory_space<vmem>> -> memref<200x128xf32, #tpu.memory_space<vmem>>
    tpu.wait_dma2 semaphore(%dma_wait3A_288 : memref<!tpu.dma_semaphore, #tpu.memory_space<semaphore_mem>>) src(%dma_wait3A_294 : memref<200x128xf32, #tpu.memory_space<vmem>>) dst(%dma_wait3A_290 : memref<200x128xf32, #tpu.memory_space<hbm>>)
    %add3A_295 = arith.constant 32 : i32
    %add3A_296 = arith.addi %add3A_295, %add3A : i32
    %mul3A_297 = arith.constant 200 : i32
    %mul3A_298 = arith.muli %add3A_296, %mul3A_297 : i32
    %dma_wait3A_299 = arith.constant 0 : i32
    %dma_wait3A_300 = arith.constant 2 : i32
    %dma_wait3A_301 = arith.constant 0 : i32
    %dma_wait3A_302 = arith.constant 0 : i32
    %dma_wait3A_303 = tpu.memref_slice %arg6[%dma_wait3A_299, %dma_wait3A_301, %dma_wait3A_302] : memref<2x200x128xf32, #tpu.memory_space<vmem>> -> memref<1x200x128xf32, #tpu.memory_space<vmem>>
    %dma_wait3A_304 = tpu.memref_squeeze %dma_wait3A_303 : memref<1x200x128xf32, #tpu.memory_space<vmem>> -> memref<200x128xf32, #tpu.memory_space<vmem>>
    %dma_wait3A_305 = arith.constant 0 : i32
    %dma_wait3A_306 = tpu.memref_slice %arg5[%mul3A_298, %dma_wait3A_305] : memref<25000x128xf32, #tpu.memory_space<hbm>> -> memref<200x128xf32, #tpu.memory_space<hbm>>
    %dma_wait3A_307 = tpu.memref_slice %arg9[%dma_wait3A_300] : memref<4x!tpu.dma_semaphore, #tpu.memory_space<semaphore_mem>> -> memref<1x!tpu.dma_semaphore, #tpu.memory_space<semaphore_mem>>
    %dma_wait3A_308 = tpu.memref_squeeze %dma_wait3A_307 : memref<1x!tpu.dma_semaphore, #tpu.memory_space<semaphore_mem>> -> memref<!tpu.dma_semaphore, #tpu.memory_space<semaphore_mem>>
    %dma_wait3A_309 = arith.constant 0 : i32
    %dma_wait3A_310 = tpu.memref_slice %arg5[%mul3A_298, %dma_wait3A_309] : memref<25000x128xf32, #tpu.memory_space<hbm>> -> memref<200x128xf32, #tpu.memory_space<hbm>>
    %dma_wait3A_311 = arith.constant 0 : i32
    %dma_wait3A_312 = arith.constant 0 : i32
    %dma_wait3A_313 = tpu.memref_slice %arg6[%dma_wait3A_299, %dma_wait3A_311, %dma_wait3A_312] : memref<2x200x128xf32, #tpu.memory_space<vmem>> -> memref<1x200x128xf32, #tpu.memory_space<vmem>>
    %dma_wait3A_314 = tpu.memref_squeeze %dma_wait3A_313 : memref<1x200x128xf32, #tpu.memory_space<vmem>> -> memref<200x128xf32, #tpu.memory_space<vmem>>
    tpu.wait_dma2 semaphore(%dma_wait3A_308 : memref<!tpu.dma_semaphore, #tpu.memory_space<semaphore_mem>>) src(%dma_wait3A_314 : memref<200x128xf32, #tpu.memory_space<vmem>>) dst(%dma_wait3A_310 : memref<200x128xf32, #tpu.memory_space<hbm>>)
    %lt3A = arith.constant 29 : i32
    %lt3A_315 = arith.cmpi slt, %add3A, %lt3A : i32
    %convert_element_type3A = arith.extui %lt3A_315 : i1 to i32
    %cond3A = arith.constant 0 : i32
    %cond3A_316 = arith.cmpi ne, %convert_element_type3A, %cond3A : i32
    scf.if %cond3A_316 {
      %add3A_317 = arith.constant 96 : i32
      %add3A_318 = arith.addi %add3A_317, %add3A : i32
      %mul3A_319 = arith.constant 200 : i32
      %mul3A_320 = arith.muli %add3A_318, %mul3A_319 : i32
      %add3A_321 = arith.constant 75000 : i32
      %add3A_322 = arith.addi %add3A_321, %mul3A_320 : i32
      %add3A_323 = arith.constant 96 : i32
      %add3A_324 = arith.addi %add3A_323, %add3A : i32
      %mul3A_325 = arith.constant 200 : i32
      %mul3A_326 = arith.muli %add3A_324, %mul3A_325 : i32
      %dma_start3A_327 = arith.constant 0 : i32
      %dma_start3A_328 = arith.constant 0 : i32
      %dma_start3A_329 = arith.constant 0 : i32
      %dma_start3A_330 = arith.constant 0 : i32
      %dma_start3A_331 = tpu.memref_slice %arg6[%dma_start3A_327, %dma_start3A_329, %dma_start3A_330] : memref<2x200x128xf32, #tpu.memory_space<vmem>> -> memref<1x200x128xf32, #tpu.memory_space<vmem>>
      %dma_start3A_332 = tpu.memref_squeeze %dma_start3A_331 : memref<1x200x128xf32, #tpu.memory_space<vmem>> -> memref<200x128xf32, #tpu.memory_space<vmem>>
      %dma_start3A_333 = arith.constant 0 : i32
      %dma_start3A_334 = tpu.memref_slice %arg2[%add3A_322, %dma_start3A_333] : memref<100000x128xf32, #tpu.memory_space<hbm>> -> memref<200x128xf32, #tpu.memory_space<hbm>>
      %dma_start3A_335 = tpu.memref_slice %arg9[%dma_start3A_328] : memref<4x!tpu.dma_semaphore, #tpu.memory_space<semaphore_mem>> -> memref<1x!tpu.dma_semaphore, #tpu.memory_space<semaphore_mem>>
      %dma_start3A_336 = tpu.memref_squeeze %dma_start3A_335 : memref<1x!tpu.dma_semaphore, #tpu.memory_space<semaphore_mem>> -> memref<!tpu.dma_semaphore, #tpu.memory_space<semaphore_mem>>
      %dma_start3A_337 = arith.constant 0 : i32
      %dma_start3A_338 = arith.constant 0 : i32
      %dma_start3A_339 = tpu.memref_slice %arg6[%dma_start3A_327, %dma_start3A_337, %dma_start3A_338] : memref<2x200x128xf32, #tpu.memory_space<vmem>> -> memref<1x200x128xf32, #tpu.memory_space<vmem>>
      %dma_start3A_340 = tpu.memref_squeeze %dma_start3A_339 : memref<1x200x128xf32, #tpu.memory_space<vmem>> -> memref<200x128xf32, #tpu.memory_space<vmem>>
      %dma_start3A_341 = arith.constant 0 : i32
      %dma_start3A_342 = tpu.memref_slice %arg2[%add3A_322, %dma_start3A_341] : memref<100000x128xf32, #tpu.memory_space<hbm>> -> memref<200x128xf32, #tpu.memory_space<hbm>>
      tpu.enqueue_dma source(%dma_start3A_342 : memref<200x128xf32, #tpu.memory_space<hbm>>) target(%dma_start3A_340 : memref<200x128xf32, #tpu.memory_space<vmem>>) target_semaphore(%dma_start3A_336 : memref<!tpu.dma_semaphore, #tpu.memory_space<semaphore_mem>>)
      %dma_wait3A_343 = arith.constant 0 : i32
      %dma_wait3A_344 = arith.constant 0 : i32
      %dma_wait3A_345 = arith.constant 0 : i32
      %dma_wait3A_346 = arith.constant 0 : i32
      %dma_wait3A_347 = tpu.memref_slice %arg6[%dma_wait3A_343, %dma_wait3A_345, %dma_wait3A_346] : memref<2x200x128xf32, #tpu.memory_space<vmem>> -> memref<1x200x128xf32, #tpu.memory_space<vmem>>
      %dma_wait3A_348 = tpu.memref_squeeze %dma_wait3A_347 : memref<1x200x128xf32, #tpu.memory_space<vmem>> -> memref<200x128xf32, #tpu.memory_space<vmem>>
      %dma_wait3A_349 = arith.constant 0 : i32
      %dma_wait3A_350 = tpu.memref_slice %arg2[%add3A_322, %dma_wait3A_349] : memref<100000x128xf32, #tpu.memory_space<hbm>> -> memref<200x128xf32, #tpu.memory_space<hbm>>
      %dma_wait3A_351 = tpu.memref_slice %arg9[%dma_wait3A_344] : memref<4x!tpu.dma_semaphore, #tpu.memory_space<semaphore_mem>> -> memref<1x!tpu.dma_semaphore, #tpu.memory_space<semaphore_mem>>
      %dma_wait3A_352 = tpu.memref_squeeze %dma_wait3A_351 : memref<1x!tpu.dma_semaphore, #tpu.memory_space<semaphore_mem>> -> memref<!tpu.dma_semaphore, #tpu.memory_space<semaphore_mem>>
      %dma_wait3A_353 = arith.constant 0 : i32
      %dma_wait3A_354 = arith.constant 0 : i32
      %dma_wait3A_355 = tpu.memref_slice %arg6[%dma_wait3A_343, %dma_wait3A_353, %dma_wait3A_354] : memref<2x200x128xf32, #tpu.memory_space<vmem>> -> memref<1x200x128xf32, #tpu.memory_space<vmem>>
      %dma_wait3A_356 = tpu.memref_squeeze %dma_wait3A_355 : memref<1x200x128xf32, #tpu.memory_space<vmem>> -> memref<200x128xf32, #tpu.memory_space<vmem>>
      %dma_wait3A_357 = arith.constant 0 : i32
      %dma_wait3A_358 = tpu.memref_slice %arg2[%add3A_322, %dma_wait3A_357] : memref<100000x128xf32, #tpu.memory_space<hbm>> -> memref<200x128xf32, #tpu.memory_space<hbm>>
      tpu.wait_dma2 semaphore(%dma_wait3A_352 : memref<!tpu.dma_semaphore, #tpu.memory_space<semaphore_mem>>) src(%dma_wait3A_358 : memref<200x128xf32, #tpu.memory_space<hbm>>) dst(%dma_wait3A_356 : memref<200x128xf32, #tpu.memory_space<vmem>>)
      %scan3A_359 = arith.constant 0 : i32
      %scan3A_360 = arith.constant 0 : i32
      %scan3A_361 = arith.constant 200 : i32
      %scan3A_362 = arith.addi %scan3A_360, %scan3A_361 : i32
      %scan3A_363 = arith.constant 1 : i32
      scf.for %scan3A_397 = %scan3A_360 to %scan3A_362 step %scan3A_363  : i32 {
        %get3A_398 = arith.constant 0 : i32
        %get3A_399 = arith.index_cast %get3A_398 : i32 to index
        %get3A_400 = arith.index_cast %scan3A_397 : i32 to index
        %get3A_401 = arith.constant 0 : index
        %get3A_402 = tpu.vector_load %arg6[%get3A_399, %get3A_400, %get3A_401] {strides = array<i32>} : memref<2x200x128xf32, #tpu.memory_space<vmem>>, vector<1x1x16xf32>,
        %get3A_403 = vector.shape_cast %get3A_402 : vector<1x1x16xf32> to vector<16xf32>
        %mul3A_404 = arith.mulf %get3A_403, %get3A_2 : vector<16xf32>
        %max3A = arith.constant 0.000000e+00 : f32
        %max3A_405 = vector.broadcast %max3A : f32 to vector<16xf32>
        %max3A_406 = arith.maximumf %mul3A_404, %max3A_405 : vector<16xf32>
        %mul3A_407 = arith.mulf %max3A_406, %get3A_26 : vector<16xf32>
        %swap3A = arith.constant 0 : i32
        %swap3A_408 = arith.index_cast %swap3A : i32 to index
        %swap3A_409 = arith.index_cast %scan3A_397 : i32 to index
        %swap3A_410 = arith.constant 0 : index
        %swap3A_411 = tpu.vector_load %arg6[%swap3A_408, %swap3A_409, %swap3A_410] {strides = array<i32>} : memref<2x200x128xf32, #tpu.memory_space<vmem>>, vector<1x1x16xf32>,
        %swap3A_412 = vector.shape_cast %swap3A_411 : vector<1x1x16xf32> to vector<16xf32>
        %swap3A_413 = vector.shape_cast %mul3A_407 : vector<16xf32> to vector<1x1x16xf32>
        tpu.vector_store %arg6[%swap3A_408, %swap3A_409, %swap3A_410], %swap3A_413 {strides = array<i32>} : memref<2x200x128xf32, #tpu.memory_space<vmem>>, vector<1x1x16xf32>,
        %get3A_414 = arith.constant 0 : i32
        %get3A_415 = arith.index_cast %get3A_414 : i32 to index
        %get3A_416 = arith.index_cast %scan3A_397 : i32 to index
        %get3A_417 = arith.constant 16 : index
        %get3A_418 = tpu.vector_load %arg6[%get3A_415, %get3A_416, %get3A_417] {strides = array<i32>} : memref<2x200x128xf32, #tpu.memory_space<vmem>>, vector<1x1x16xf32>,
        %get3A_419 = vector.shape_cast %get3A_418 : vector<1x1x16xf32> to vector<16xf32>
        %mul3A_420 = arith.mulf %get3A_419, %get3A_5 : vector<16xf32>
        %max3A_421 = arith.constant 0.000000e+00 : f32
        %max3A_422 = vector.broadcast %max3A_421 : f32 to vector<16xf32>
        %max3A_423 = arith.maximumf %mul3A_420, %max3A_422 : vector<16xf32>
        %mul3A_424 = arith.mulf %max3A_423, %get3A_29 : vector<16xf32>
        %swap3A_425 = arith.constant 0 : i32
        %swap3A_426 = arith.index_cast %swap3A_425 : i32 to index
        %swap3A_427 = arith.index_cast %scan3A_397 : i32 to index
        %swap3A_428 = arith.constant 16 : index
        %swap3A_429 = tpu.vector_load %arg6[%swap3A_426, %swap3A_427, %swap3A_428] {strides = array<i32>} : memref<2x200x128xf32, #tpu.memory_space<vmem>>, vector<1x1x16xf32>,
        %swap3A_430 = vector.shape_cast %swap3A_429 : vector<1x1x16xf32> to vector<16xf32>
        %swap3A_431 = vector.shape_cast %mul3A_424 : vector<16xf32> to vector<1x1x16xf32>
        tpu.vector_store %arg6[%swap3A_426, %swap3A_427, %swap3A_428], %swap3A_431 {strides = array<i32>} : memref<2x200x128xf32, #tpu.memory_space<vmem>>, vector<1x1x16xf32>,
        %get3A_432 = arith.constant 0 : i32
        %get3A_433 = arith.index_cast %get3A_432 : i32 to index
        %get3A_434 = arith.index_cast %scan3A_397 : i32 to index
        %get3A_435 = arith.constant 32 : index
        %get3A_436 = tpu.vector_load %arg6[%get3A_433, %get3A_434, %get3A_435] {strides = array<i32>} : memref<2x200x128xf32, #tpu.memory_space<vmem>>, vector<1x1x16xf32>,
        %get3A_437 = vector.shape_cast %get3A_436 : vector<1x1x16xf32> to vector<16xf32>
        %mul3A_438 = arith.mulf %get3A_437, %get3A_8 : vector<16xf32>
        %max3A_439 = arith.constant 0.000000e+00 : f32
        %max3A_440 = vector.broadcast %max3A_439 : f32 to vector<16xf32>
        %max3A_441 = arith.maximumf %mul3A_438, %max3A_440 : vector<16xf32>
        %mul3A_442 = arith.mulf %max3A_441, %get3A_32 : vector<16xf32>
        %swap3A_443 = arith.constant 0 : i32
        %swap3A_444 = arith.index_cast %swap3A_443 : i32 to index
        %swap3A_445 = arith.index_cast %scan3A_397 : i32 to index
        %swap3A_446 = arith.constant 32 : index
        %swap3A_447 = tpu.vector_load %arg6[%swap3A_444, %swap3A_445, %swap3A_446] {strides = array<i32>} : memref<2x200x128xf32, #tpu.memory_space<vmem>>, vector<1x1x16xf32>,
        %swap3A_448 = vector.shape_cast %swap3A_447 : vector<1x1x16xf32> to vector<16xf32>
        %swap3A_449 = vector.shape_cast %mul3A_442 : vector<16xf32> to vector<1x1x16xf32>
        tpu.vector_store %arg6[%swap3A_444, %swap3A_445, %swap3A_446], %swap3A_449 {strides = array<i32>} : memref<2x200x128xf32, #tpu.memory_space<vmem>>, vector<1x1x16xf32>,
        %get3A_450 = arith.constant 0 : i32
        %get3A_451 = arith.index_cast %get3A_450 : i32 to index
        %get3A_452 = arith.index_cast %scan3A_397 : i32 to index
        %get3A_453 = arith.constant 48 : index
        %get3A_454 = tpu.vector_load %arg6[%get3A_451, %get3A_452, %get3A_453] {strides = array<i32>} : memref<2x200x128xf32, #tpu.memory_space<vmem>>, vector<1x1x16xf32>,
        %get3A_455 = vector.shape_cast %get3A_454 : vector<1x1x16xf32> to vector<16xf32>
        %mul3A_456 = arith.mulf %get3A_455, %get3A_11 : vector<16xf32>
        %max3A_457 = arith.constant 0.000000e+00 : f32
        %max3A_458 = vector.broadcast %max3A_457 : f32 to vector<16xf32>
        %max3A_459 = arith.maximumf %mul3A_456, %max3A_458 : vector<16xf32>
        %mul3A_460 = arith.mulf %max3A_459, %get3A_35 : vector<16xf32>
        %swap3A_461 = arith.constant 0 : i32
        %swap3A_462 = arith.index_cast %swap3A_461 : i32 to index
        %swap3A_463 = arith.index_cast %scan3A_397 : i32 to index
        %swap3A_464 = arith.constant 48 : index
        %swap3A_465 = tpu.vector_load %arg6[%swap3A_462, %swap3A_463, %swap3A_464] {strides = array<i32>} : memref<2x200x128xf32, #tpu.memory_space<vmem>>, vector<1x1x16xf32>,
        %swap3A_466 = vector.shape_cast %swap3A_465 : vector<1x1x16xf32> to vector<16xf32>
        %swap3A_467 = vector.shape_cast %mul3A_460 : vector<16xf32> to vector<1x1x16xf32>
        tpu.vector_store %arg6[%swap3A_462, %swap3A_463, %swap3A_464], %swap3A_467 {strides = array<i32>} : memref<2x200x128xf32, #tpu.memory_space<vmem>>, vector<1x1x16xf32>,
        %get3A_468 = arith.constant 0 : i32
        %get3A_469 = arith.index_cast %get3A_468 : i32 to index
        %get3A_470 = arith.index_cast %scan3A_397 : i32 to index
        %get3A_471 = arith.constant 64 : index
        %get3A_472 = tpu.vector_load %arg6[%get3A_469, %get3A_470, %get3A_471] {strides = array<i32>} : memref<2x200x128xf32, #tpu.memory_space<vmem>>, vector<1x1x16xf32>,
        %get3A_473 = vector.shape_cast %get3A_472 : vector<1x1x16xf32> to vector<16xf32>
        %mul3A_474 = arith.mulf %get3A_473, %get3A_14 : vector<16xf32>
        %max3A_475 = arith.constant 0.000000e+00 : f32
        %max3A_476 = vector.broadcast %max3A_475 : f32 to vector<16xf32>
        %max3A_477 = arith.maximumf %mul3A_474, %max3A_476 : vector<16xf32>
        %mul3A_478 = arith.mulf %max3A_477, %get3A_38 : vector<16xf32>
        %swap3A_479 = arith.constant 0 : i32
        %swap3A_480 = arith.index_cast %swap3A_479 : i32 to index
        %swap3A_481 = arith.index_cast %scan3A_397 : i32 to index
        %swap3A_482 = arith.constant 64 : index
        %swap3A_483 = tpu.vector_load %arg6[%swap3A_480, %swap3A_481, %swap3A_482] {strides = array<i32>} : memref<2x200x128xf32, #tpu.memory_space<vmem>>, vector<1x1x16xf32>,
        %swap3A_484 = vector.shape_cast %swap3A_483 : vector<1x1x16xf32> to vector<16xf32>
        %swap3A_485 = vector.shape_cast %mul3A_478 : vector<16xf32> to vector<1x1x16xf32>
        tpu.vector_store %arg6[%swap3A_480, %swap3A_481, %swap3A_482], %swap3A_485 {strides = array<i32>} : memref<2x200x128xf32, #tpu.memory_space<vmem>>, vector<1x1x16xf32>,
        %get3A_486 = arith.constant 0 : i32
        %get3A_487 = arith.index_cast %get3A_486 : i32 to index
        %get3A_488 = arith.index_cast %scan3A_397 : i32 to index
        %get3A_489 = arith.constant 80 : index
        %get3A_490 = tpu.vector_load %arg6[%get3A_487, %get3A_488, %get3A_489] {strides = array<i32>} : memref<2x200x128xf32, #tpu.memory_space<vmem>>, vector<1x1x16xf32>,
        %get3A_491 = vector.shape_cast %get3A_490 : vector<1x1x16xf32> to vector<16xf32>
        %mul3A_492 = arith.mulf %get3A_491, %get3A_17 : vector<16xf32>
        %max3A_493 = arith.constant 0.000000e+00 : f32
        %max3A_494 = vector.broadcast %max3A_493 : f32 to vector<16xf32>
        %max3A_495 = arith.maximumf %mul3A_492, %max3A_494 : vector<16xf32>
        %mul3A_496 = arith.mulf %max3A_495, %get3A_41 : vector<16xf32>
        %swap3A_497 = arith.constant 0 : i32
        %swap3A_498 = arith.index_cast %swap3A_497 : i32 to index
        %swap3A_499 = arith.index_cast %scan3A_397 : i32 to index
        %swap3A_500 = arith.constant 80 : index
        %swap3A_501 = tpu.vector_load %arg6[%swap3A_498, %swap3A_499, %swap3A_500] {strides = array<i32>} : memref<2x200x128xf32, #tpu.memory_space<vmem>>, vector<1x1x16xf32>,
        %swap3A_502 = vector.shape_cast %swap3A_501 : vector<1x1x16xf32> to vector<16xf32>
        %swap3A_503 = vector.shape_cast %mul3A_496 : vector<16xf32> to vector<1x1x16xf32>
        tpu.vector_store %arg6[%swap3A_498, %swap3A_499, %swap3A_500], %swap3A_503 {strides = array<i32>} : memref<2x200x128xf32, #tpu.memory_space<vmem>>, vector<1x1x16xf32>,
        %get3A_504 = arith.constant 0 : i32
        %get3A_505 = arith.index_cast %get3A_504 : i32 to index
        %get3A_506 = arith.index_cast %scan3A_397 : i32 to index
        %get3A_507 = arith.constant 96 : index
        %get3A_508 = tpu.vector_load %arg6[%get3A_505, %get3A_506, %get3A_507] {strides = array<i32>} : memref<2x200x128xf32, #tpu.memory_space<vmem>>, vector<1x1x16xf32>,
        %get3A_509 = vector.shape_cast %get3A_508 : vector<1x1x16xf32> to vector<16xf32>
        %mul3A_510 = arith.mulf %get3A_509, %get3A_20 : vector<16xf32>
        %max3A_511 = arith.constant 0.000000e+00 : f32
        %max3A_512 = vector.broadcast %max3A_511 : f32 to vector<16xf32>
        %max3A_513 = arith.maximumf %mul3A_510, %max3A_512 : vector<16xf32>
        %mul3A_514 = arith.mulf %max3A_513, %get3A_44 : vector<16xf32>
        %swap3A_515 = arith.constant 0 : i32
        %swap3A_516 = arith.index_cast %swap3A_515 : i32 to index
        %swap3A_517 = arith.index_cast %scan3A_397 : i32 to index
        %swap3A_518 = arith.constant 96 : index
        %swap3A_519 = tpu.vector_load %arg6[%swap3A_516, %swap3A_517, %swap3A_518] {strides = array<i32>} : memref<2x200x128xf32, #tpu.memory_space<vmem>>, vector<1x1x16xf32>,
        %swap3A_520 = vector.shape_cast %swap3A_519 : vector<1x1x16xf32> to vector<16xf32>
        %swap3A_521 = vector.shape_cast %mul3A_514 : vector<16xf32> to vector<1x1x16xf32>
        tpu.vector_store %arg6[%swap3A_516, %swap3A_517, %swap3A_518], %swap3A_521 {strides = array<i32>} : memref<2x200x128xf32, #tpu.memory_space<vmem>>, vector<1x1x16xf32>,
        %get3A_522 = arith.constant 0 : i32
        %get3A_523 = arith.index_cast %get3A_522 : i32 to index
        %get3A_524 = arith.index_cast %scan3A_397 : i32 to index
        %get3A_525 = arith.constant 112 : index
        %get3A_526 = tpu.vector_load %arg6[%get3A_523, %get3A_524, %get3A_525] {strides = array<i32>} : memref<2x200x128xf32, #tpu.memory_space<vmem>>, vector<1x1x16xf32>,
        %get3A_527 = vector.shape_cast %get3A_526 : vector<1x1x16xf32> to vector<16xf32>
        %mul3A_528 = arith.mulf %get3A_527, %get3A_23 : vector<16xf32>
        %max3A_529 = arith.constant 0.000000e+00 : f32
        %max3A_530 = vector.broadcast %max3A_529 : f32 to vector<16xf32>
        %max3A_531 = arith.maximumf %mul3A_528, %max3A_530 : vector<16xf32>
        %mul3A_532 = arith.mulf %max3A_531, %get3A_47 : vector<16xf32>
        %swap3A_533 = arith.constant 0 : i32
        %swap3A_534 = arith.index_cast %swap3A_533 : i32 to index
        %swap3A_535 = arith.index_cast %scan3A_397 : i32 to index
        %swap3A_536 = arith.constant 112 : index
        %swap3A_537 = tpu.vector_load %arg6[%swap3A_534, %swap3A_535, %swap3A_536] {strides = array<i32>} : memref<2x200x128xf32, #tpu.memory_space<vmem>>, vector<1x1x16xf32>,
        %swap3A_538 = vector.shape_cast %swap3A_537 : vector<1x1x16xf32> to vector<16xf32>
        %swap3A_539 = vector.shape_cast %mul3A_532 : vector<16xf32> to vector<1x1x16xf32>
        tpu.vector_store %arg6[%swap3A_534, %swap3A_535, %swap3A_536], %swap3A_539 {strides = array<i32>} : memref<2x200x128xf32, #tpu.memory_space<vmem>>, vector<1x1x16xf32>,
      }
      %scan3A_364 = arith.constant 200 : i32
      %dma_start3A_365 = arith.constant 0 : i32
      %dma_start3A_366 = arith.constant 2 : i32
      %dma_start3A_367 = arith.constant 0 : i32
      %dma_start3A_368 = arith.constant 0 : i32
      %dma_start3A_369 = tpu.memref_slice %arg6[%dma_start3A_365, %dma_start3A_367, %dma_start3A_368] : memref<2x200x128xf32, #tpu.memory_space<vmem>> -> memref<1x200x128xf32, #tpu.memory_space<vmem>>
      %dma_start3A_370 = tpu.memref_squeeze %dma_start3A_369 : memref<1x200x128xf32, #tpu.memory_space<vmem>> -> memref<200x128xf32, #tpu.memory_space<vmem>>
      %dma_start3A_371 = arith.constant 0 : i32
      %dma_start3A_372 = tpu.memref_slice %arg5[%mul3A_326, %dma_start3A_371] : memref<25000x128xf32, #tpu.memory_space<hbm>> -> memref<200x128xf32, #tpu.memory_space<hbm>>
      %dma_start3A_373 = tpu.memref_slice %arg9[%dma_start3A_366] : memref<4x!tpu.dma_semaphore, #tpu.memory_space<semaphore_mem>> -> memref<1x!tpu.dma_semaphore, #tpu.memory_space<semaphore_mem>>
      %dma_start3A_374 = tpu.memref_squeeze %dma_start3A_373 : memref<1x!tpu.dma_semaphore, #tpu.memory_space<semaphore_mem>> -> memref<!tpu.dma_semaphore, #tpu.memory_space<semaphore_mem>>
      %dma_start3A_375 = arith.constant 0 : i32
      %dma_start3A_376 = tpu.memref_slice %arg5[%mul3A_326, %dma_start3A_375] : memref<25000x128xf32, #tpu.memory_space<hbm>> -> memref<200x128xf32, #tpu.memory_space<hbm>>
      %dma_start3A_377 = arith.constant 0 : i32
      %dma_start3A_378 = arith.constant 0 : i32
      %dma_start3A_379 = tpu.memref_slice %arg6[%dma_start3A_365, %dma_start3A_377, %dma_start3A_378] : memref<2x200x128xf32, #tpu.memory_space<vmem>> -> memref<1x200x128xf32, #tpu.memory_space<vmem>>
      %dma_start3A_380 = tpu.memref_squeeze %dma_start3A_379 : memref<1x200x128xf32, #tpu.memory_space<vmem>> -> memref<200x128xf32, #tpu.memory_space<vmem>>
      tpu.enqueue_dma source(%dma_start3A_380 : memref<200x128xf32, #tpu.memory_space<vmem>>) target(%dma_start3A_376 : memref<200x128xf32, #tpu.memory_space<hbm>>) target_semaphore(%dma_start3A_374 : memref<!tpu.dma_semaphore, #tpu.memory_space<semaphore_mem>>)
      %dma_wait3A_381 = arith.constant 0 : i32
      %dma_wait3A_382 = arith.constant 2 : i32
      %dma_wait3A_383 = arith.constant 0 : i32
      %dma_wait3A_384 = arith.constant 0 : i32
      %dma_wait3A_385 = tpu.memref_slice %arg6[%dma_wait3A_381, %dma_wait3A_383, %dma_wait3A_384] : memref<2x200x128xf32, #tpu.memory_space<vmem>> -> memref<1x200x128xf32, #tpu.memory_space<vmem>>
      %dma_wait3A_386 = tpu.memref_squeeze %dma_wait3A_385 : memref<1x200x128xf32, #tpu.memory_space<vmem>> -> memref<200x128xf32, #tpu.memory_space<vmem>>
      %dma_wait3A_387 = arith.constant 0 : i32
      %dma_wait3A_388 = tpu.memref_slice %arg5[%mul3A_326, %dma_wait3A_387] : memref<25000x128xf32, #tpu.memory_space<hbm>> -> memref<200x128xf32, #tpu.memory_space<hbm>>
      %dma_wait3A_389 = tpu.memref_slice %arg9[%dma_wait3A_382] : memref<4x!tpu.dma_semaphore, #tpu.memory_space<semaphore_mem>> -> memref<1x!tpu.dma_semaphore, #tpu.memory_space<semaphore_mem>>
      %dma_wait3A_390 = tpu.memref_squeeze %dma_wait3A_389 : memref<1x!tpu.dma_semaphore, #tpu.memory_space<semaphore_mem>> -> memref<!tpu.dma_semaphore, #tpu.memory_space<semaphore_mem>>
      %dma_wait3A_391 = arith.constant 0 : i32
      %dma_wait3A_392 = tpu.memref_slice %arg5[%mul3A_326, %dma_wait3A_391] : memref<25000x128xf32, #tpu.memory_space<hbm>> -> memref<200x128xf32, #tpu.memory_space<hbm>>
      %dma_wait3A_393 = arith.constant 0 : i32
      %dma_wait3A_394 = arith.constant 0 : i32
      %dma_wait3A_395 = tpu.memref_slice %arg6[%dma_wait3A_381, %dma_wait3A_393, %dma_wait3A_394] : memref<2x200x128xf32, #tpu.memory_space<vmem>> -> memref<1x200x128xf32, #tpu.memory_space<vmem>>
      %dma_wait3A_396 = tpu.memref_squeeze %dma_wait3A_395 : memref<1x200x128xf32, #tpu.memory_space<vmem>> -> memref<200x128xf32, #tpu.memory_space<vmem>>
      tpu.wait_dma2 semaphore(%dma_wait3A_390 : memref<!tpu.dma_semaphore, #tpu.memory_space<semaphore_mem>>) src(%dma_wait3A_396 : memref<200x128xf32, #tpu.memory_space<vmem>>) dst(%dma_wait3A_392 : memref<200x128xf32, #tpu.memory_space<hbm>>)
    } else {
    }
    return
  }
}

module attributes {stable_mosaic.version = 14 : i64} {
  func.func @_tc_kernel(%arg0: i32, %arg1: memref<25000x128xf32, #tpu.memory_space<vmem>>, %arg2: memref<1x128xf32, #tpu.memory_space<vmem>>, %arg3: memref<1x128xf32, #tpu.memory_space<vmem>>, %arg4: memref<25000x128xf32, #tpu.memory_space<vmem>>) attributes {dimension_semantics = [#tpu.dimension_semantics<arbitrary>], iteration_bounds = array<i64: 3>, scalar_prefetch = 0 : i64, scratch_operands = 0 : i64, tpu.core_type = #tpu.core_type<tc>, window_params = [{transform_indices = @transform_0, window_bounds = array<i64: 25000, 128>}, {pipeline_mode = #tpu.pipeline_mode<synchronous>, transform_indices = @transform_1, window_bounds = array<i64: 1, 128>}, {pipeline_mode = #tpu.pipeline_mode<synchronous>, transform_indices = @transform_2, window_bounds = array<i64: 1, 128>}, {transform_indices = @transform_3, window_bounds = array<i64: 25000, 128>}]} {
    %get3A = arith.constant 0 : index
    %get3A_0 = arith.constant 0 : index
    %get3A_1 = vector.load %arg1[%get3A, %get3A_0] : memref<25000x128xf32, #tpu.memory_space<vmem>>, vector<25000x128xf32>
    %get3A_2 = arith.constant 0 : index
    %get3A_3 = arith.constant 0 : index
    %get3A_4 = vector.load %arg2[%get3A_2, %get3A_3] : memref<1x128xf32, #tpu.memory_space<vmem>>, vector<1x128xf32>
    %mul3A = vector.broadcast %get3A_4 : vector<1x128xf32> to vector<25000x128xf32>
    %mul3A_5 = arith.mulf %get3A_1, %mul3A : vector<25000x128xf32>
    %max3A = arith.constant 0.000000e+00 : f32
    %max3A_6 = vector.broadcast %max3A : f32 to vector<25000x128xf32>
    %max3A_7 = arith.maximumf %mul3A_5, %max3A_6 : vector<25000x128xf32>
    %get3A_8 = arith.constant 0 : index
    %get3A_9 = arith.constant 0 : index
    %get3A_10 = vector.load %arg3[%get3A_8, %get3A_9] : memref<1x128xf32, #tpu.memory_space<vmem>>, vector<1x128xf32>
    %mul3A_11 = vector.broadcast %get3A_10 : vector<1x128xf32> to vector<25000x128xf32>
    %mul3A_12 = arith.mulf %max3A_7, %mul3A_11 : vector<25000x128xf32>
    %swap3A = arith.constant 0 : index
    %swap3A_13 = arith.constant 0 : index
    %swap3A_14 = vector.load %arg4[%swap3A, %swap3A_13] : memref<25000x128xf32, #tpu.memory_space<vmem>>, vector<25000x128xf32>
    tpu.vector_store %arg4[%swap3A, %swap3A_13], %mul3A_12 {strides = array<i32>} : memref<25000x128xf32, #tpu.memory_space<vmem>>, vector<25000x128xf32>,
    return
  }
  func.func @transform_0(%arg0: i32) -> (i32, i32) {
    %c0_i32 = arith.constant 0 : i32
    %c0_i32_0 = arith.constant 0 : i32
    return %arg0, %c0_i32 : i32, i32
  }
  func.func @transform_1(%arg0: i32) -> (i32, i32) {
    %c0_i32 = arith.constant 0 : i32
    %c0_i32_0 = arith.constant 0 : i32
    %c0_i32_1 = arith.constant 0 : i32
    return %c0_i32, %c0_i32_0 : i32, i32
  }
  func.func @transform_2(%arg0: i32) -> (i32, i32) {
    %c0_i32 = arith.constant 0 : i32
    %c0_i32_0 = arith.constant 0 : i32
    %c0_i32_1 = arith.constant 0 : i32
    return %c0_i32, %c0_i32_0 : i32, i32
  }
  func.func @transform_3(%arg0: i32) -> (i32, i32) {
    %c0_i32 = arith.constant 0 : i32
    %c0_i32_0 = arith.constant 0 : i32
    return %arg0, %c0_i32 : i32, i32
  }
}

</mosaic_0001>

<sc_bundles>
// kernel: kernel.4.cloned.1.call-start
scs
__scs_entry_jumppad:
0x0: {  	(pc) =	sbr.rel $0x88, $3  }
0x1: {  	(tag) =	ssettag $0x0;
	lr =	simm.s32 $0x1  }
0x2: {  	[smem:$0x3F9E] =	sst lr;
	_ =	strace $0xD0000000  }
0x3: {  	_ = 	snop  }
0x4: {  	_ = 	snop  }
0x5: {  	_ = 	snop  }
0x6: {  	_ = 	snop  }
0x7: {  	_ = 	snop  }
__scs_overlays_trampoline_lowered:
0x8: {  	[smem:$0x3FAD] =	sst s0  }
0x9: {  	[smem:$0x3FAE] =	sst s1  }
0xa: {  	[smem:$0x3FAF] =	sst s2  }
0xb: {  	[smem:$0x3FB0] =	sst s3  }
0xc: {  	[smem:$0x3FB1] =	sst s4  }
0xd: {  	[smem:$0x3FB2] =	sst s5  }
0xe: {  	[smem:$0x3FB3] =	sst s6  }
0xf: {  	[smem:$0x3FB4] =	sst s7  }
0x10: {  	[smem:$0x3FB5] =	sst s8  }
0x11: {  	[smem:$0x3FB6] =	sst s9;
	s0 =	simm.s32 @!p0 $0x0  }
0x12: {  	s1 =	sld [smem:$0x3F9C];
	s0 =	simm.s32 @p0 $0x1  }
0x13: {  	[smem:$0x3FB7] =	sst s0;
	s0 =	simm.s32 @!p1 $0x0  }
0x14: {  	s2 =	sld [smem:$0x3F9B];
	s0 =	simm.s32 @p1 $0x1  }
0x15: {  	[smem:$0x3FB8] =	sst s0;
	s0 =	simm.s32 @!p2 $0x0  }
0x16: {  	s3 =	sld [smem:$0x3FDB];
	s0 =	simm.s32 @p2 $0x1  }
0x17: {  	s4 =	simm.s32 $0x1BF5;
	[smem:$0x3FBA] =	sst s0  }
0x18: {  	s0 =	sld [smem:$0x3F9D];
	_ =	swait.ge [sflag:s4], $0x0  }
0x19: {  	s7 =	sld [smem:$0x3F9E]  }
0x1a: {  	s8 =	sadd.s32 $0xFFFFE003, lr  }
0x1b: {  	s9 =	sadd.s32 $0xFFFFFEF7, lr;
	s5 =	simm.s32 $0xFFFFFFFF;
	p2 =	slt.u32 s8, $0xFFFFF086  }
0x1c: {  	p1 =	slt.u32 s9, $0xF7A;
	s5 =	simm.s32 @!p2 $0x0  }
0x1d: {  	s5 =	simm.s32 @p1 $0x1;
	p0 =	seq.s32 s7, s2  }
0x1e: {  	s7 =	smul.u32 @!p0 $0xF7A, s2;
	p2 =	seq.s32 @!p0 s5, $0x0  }
0x1f: {  	s9 =	smul.u32 $0xF7A, s1;
	s8 =	simm.s32 @!p0 $0x1BF5;
	p2 =	por !p2, p0  }
0x20: {  	[sflag:s8] =	ssyncset.s32 @!p0 $0xFFFFF086;
	s6 =	sadd.s32 @!p0 s3, s7;
	s7 =	simm.s32 @!p0 $0x108  }
0x21: {  	s3 =	sadd.s32 s3, s9;
	s6 =	sadd.s32 @!p0 $0x88, s6;
	s7 =	simm.s32 @p2 $0x1082  }
0x22: {  	[simem:s7], [sflag:s8] =	dma.local @!p0 [hbm:s6], $0xF7A  }
0x23: {  	s9 =	sor.u32 $0xD0000000, s2;
	s6 =	simm.s32 $0x108;
	_ =	swait.ge @!p0 [sflag:s8], $0x0  }
0x24: {  	s3 =	sadd.s32 $0x88, s3;
	s6 =	simm.s32 @!p1 $0x1082;
	[sflag:s4] =	ssyncset.s32 $0xFFFFF086  }
0x25: {  	[simem:s6], [sflag:s4] =	dma.local [hbm:s3], $0xF7A  }
0x26: {  	[smem:$0x3F9E] =	sst s1;
	(tag) =	ssettag s2;
	_ =	strace s9  }
0x27: {  	s1 =	sld [smem:$0x3FAE]  }
0x28: {  	s2 =	sld [smem:$0x3FAF]  }
0x29: {  	s4 =	sld [smem:$0x3FB1]  }
0x2a: {  	p0 =	seq.s32 s5, $0x0;
	s5 =	sld [smem:$0x3FB2]  }
0x2b: {  	s6 =	sld [smem:$0x3FB3]  }
0x2c: {  	s7 =	sld [smem:$0x3FB4]  }
0x2d: {  	s3 =	simm.s32 $0x108;
	s8 =	sld [smem:$0x3FB5]  }
0x2e: {  	s3 =	simm.s32 @!p0 $0x1082;
	s9 =	sld [smem:$0x3FB6]  }
0x2f: {  	lr =	sadd.s32 s0, s3;
	s0 =	sld [smem:$0x3FAD]  }
0x30: {  	s3 =	sld [smem:$0x3FB0]  }
0x31: {  	[smem:$0x3FB9] =	sst s10  }
0x32: {  	s10 =	sld [smem:$0x3FB7];
	_ =	sdelay $0x3  }
0x33: {  	p0 =	seq.s32 s10, $0x1;
	s10 =	sld [smem:$0x3FB9];
	_ =	sdelay $0x3  }
0x34: {  	[smem:$0x3FB9] =	sst s10  }
0x35: {  	s10 =	sld [smem:$0x3FB8];
	_ =	sdelay $0x3  }
0x36: {  	p1 =	seq.s32 s10, $0x1;
	s10 =	sld [smem:$0x3FB9];
	_ =	sdelay $0x3  }
0x37: {  	[smem:$0x3FB9] =	sst s10  }
0x38: {  	s10 =	sld [smem:$0x3FBA]  }
0x39: {  	_ = 	snop;
	(pc) =	sbr.ind lr, $3  }
0x3a: {  	_ = 	snop  }
0x3b: {  	_ = 	snop  }
0x3c: {  	p2 =	seq.s32 s10, $0x1;
	s10 =	sld [smem:$0x3FB9]  }
0x3d: {  	_ =	shalt  }
0x3e: {  	_ =	shalt  }
0x3f: {  	_ =	shalt  }
0x40: {  	_ =	shalt  }
0x41: {  	_ =	shalt  }
0x42: {  	_ =	shalt  }
0x43: {  	_ =	shalt  }
0x44: {  	_ =	shalt  }
0x45: {  	_ =	shalt  }
0x46: {  	_ =	shalt  }
0x47: {  	_ =	shalt  }
0x48: {  	_ =	shalt  }
0x49: {  	_ =	shalt  }
0x4a: {  	_ =	shalt  }
0x4b: {  	_ =	shalt  }
0x4c: {  	_ =	shalt  }
0x4d: {  	_ =	shalt  }
0x4e: {  	_ =	shalt  }
0x4f: {  	_ =	shalt  }
0x50: {  	_ =	shalt  }
0x51: {  	_ =	shalt  }
0x52: {  	_ =	shalt  }
0x53: {  	_ =	shalt  }
0x54: {  	_ =	shalt  }
0x55: {  	_ =	shalt  }
0x56: {  	_ =	shalt  }
0x57: {  	_ =	shalt  }
0x58: {  	_ =	shalt  }
0x59: {  	_ =	shalt  }
0x5a: {  	_ =	shalt  }
0x5b: {  	_ =	shalt  }
0x5c: {  	_ =	shalt  }
0x5d: {  	_ =	shalt  }
0x5e: {  	_ =	shalt  }
0x5f: {  	_ =	shalt  }
0x60: {  	_ =	shalt  }
0x61: {  	_ =	shalt  }
0x62: {  	_ =	shalt  }
0x63: {  	_ =	shalt  }
0x64: {  	_ =	shalt  }
0x65: {  	_ =	shalt  }
0x66: {  	_ =	shalt  }
0x67: {  	_ =	shalt  }
0x68: {  	_ =	shalt  }
0x69: {  	_ =	shalt  }
0x6a: {  	_ =	shalt  }
0x6b: {  	_ =	shalt  }
0x6c: {  	_ =	shalt  }
0x6d: {  	_ =	shalt  }
0x6e: {  	_ =	shalt  }
0x6f: {  	_ =	shalt  }
0x70: {  	_ =	shalt  }
0x71: {  	_ =	shalt  }
0x72: {  	_ =	shalt  }
0x73: {  	_ =	shalt  }
0x74: {  	_ =	shalt  }
0x75: {  	_ =	shalt  }
0x76: {  	_ =	shalt  }
0x77: {  	_ =	shalt  }
0x78: {  	_ =	shalt  }
0x79: {  	_ =	shalt  }
0x7a: {  	_ =	shalt  }
0x7b: {  	_ =	shalt  }
0x7c: {  	_ =	shalt  }
0x7d: {  	_ =	shalt  }
0x7e: {  	_ =	shalt  }
0x7f: {  	_ =	shalt  }
0x80: {  	_ =	shalt  }
0x81: {  	_ =	shalt  }
0x82: {  	_ =	shalt  }
0x83: {  	_ =	shalt  }
0x84: {  	_ =	shalt  }
0x85: {  	_ =	shalt  }
0x86: {  	_ =	shalt  }
0x87: {  	_ =	shalt  }
.Lfunc_end0:
.L_simem_size_0:
called_computation_lowered:
.L_overlay_start_0:
0x88: {  	s2 =	sld [smem:$0x3FD9]  }
0x89: {  	s3 =	sld [smem:$0x3FFE];
	_ =	sdelay $0x1  }
0x8a: {  	s1 =	srdreg.scid  }
0x8b: {  	s0 =	sand.u32 $0x1, s1  }
0x8c: {  	s17 =	sshll.u32 s0, $0xA;
	s2 =	sadd.s32 s3, s2  }
0x8d: {  	s2 =	sadd.s32 s2, s17  }
0x8e: {  	[smem:$0x3FC5] =	sst s2  }
0x8f: {  	_ = 	snop  }
0x90: {  	s2 =	sld [smem:$0x3FC9]  }
0x91: {  	s18 =	sld [smem:$0x3FC8]  }
0x92: {  	s4 =	sld [smem:$0x3FC7];
	(tm) =	ssettm $0x1  }
0x93: {  	s5 =	sld [smem:$0x3FFB];
	_ =	sdelay $0x3  }
0x94: {  	_ =	strace s5  }
0x95: {  	s5 =	sld [smem:$0x3FFC];
	_ =	sdelay $0x3  }
0x96: {  	_ =	strace s5  }
0x97: {  	s5 =	sld [smem:$0x3FFD];
	_ =	sdelay $0x3  }
0x98: {  	_ =	strace s5  }
0x99: {  	_ =	strace $0x8FFFFFFF  }
0x9a: {  	s19 =	sld [smem:$0x3FDB];
	_ =	sdelay $0x1  }
0x9b: {  	s6 =	simm.s32 $_scs_section_size  }
0x9c: {  	s7 =	simm.s32 $_size__tile_overlayer_lowered;
	s8 =	simm.s32 $_tile_overlayer_lowered  }
0x9d: {  	s22 =	simm.s32 $0x1BFF;
	s21 =	sshll.u32 s8, $0x1;
	s5 =	sadd.s32 s6, s19  }
0x9e: {  	s9 =	simm.s32 $0x0;
	s20 =	sshll.u32 s7, $0x1;
	s7 =	sadd.s32 s21, s5  }
0x9f: {  	[timem:s9], [sflag:s22] =	dma.local [hbm:s7], s20  }
0xa0: {  	_ =	swait.ge [sflag:s22], s20  }
0xa1: {  	s6 =	ssub.s32 $0x0, s20;
	[sflag:s22] =	ssyncset.done $0x0  }
0xa2: {  	[sflag:s22] =	ssyncadd.s32 s6;
	_ =	sdelay $0x1  }
0xa3: {  	s23 =	simm.s32 $0x1B8B  }
0xa4: {  	_ =	swait.ge [sflag:s23], $0x1  }
0xa5: {  	[sflag:s23] =	ssyncset.done $0x0  }
0xa6: {  	s25 =	simm.s32 $0x1B8E;
	s24 =	sld [smem:$0x3FFE];
	[sflag:s23] =	ssyncadd.s32 $0xFFFFFFFF  }
0xa7: {  	s26 =	simm.s32 $execute0_lowered;
	[smem:$0x3FD2] =	sst s25  }
0xa8: {  	s7 =	sshll.u32 s26, $0x1;
	_ =	strace $0x80000046;
	[dreg:$0x1] =	wrdreg $0xFFFFFFFF  }
0xa9: {  	s28 =	simm.s32 $_size_execute0_lowered;
	s5 =	sadd.s32 s5, s7;
	[dreg:$0x0] =	wrdreg $0x0  }
0xaa: {  	s7 =	sshll.u32 s28, $0x1;
	[dreg:$0x2] =	wrdreg s5  }
0xab: {  	[dreg:$0x3] =	wrdreg s7  }
0xac: {  	[dreg:$0x4] =	wrdreg $0xC0  }
0xad: {  	_ =	task [dreg:s9], $0x5FFFF  }
0xae: {  	[dreg:$0x1] =	wrdreg $0xFFFFFFFF  }
0xaf: {  	[dreg:$0x0] =	wrdreg $0x60  }
0xb0: {  	[dreg:$0x2] =	wrdreg s2  }
0xb1: {  	[dreg:$0x3] =	wrdreg s18  }
0xb2: {  	[dreg:$0x4] =	wrdreg s4  }
0xb3: {  	[dreg:$0x5] =	wrdreg s24  }
0xb4: {  	[dreg:$0x6] =	wrdreg $0x9  }
0xb5: {  	_ =	task.clear_ibuf [dreg:s9], $0x7FFFF;
	_ =	strace $0x90000046  }
0xb6: {  	s29 =	simm.s32 $0x9;
	_ =	strace $0x80000048  }
0xb7: {  	_ =	swait.ge [sflag:s29], $0x1  }
0xb8: {  	[sflag:s29] =	ssyncadd.s32 $0xFFFFFFFF  }
0xb9: {  	_ =	strace $0x90000048  }
0xba: {  	_ =	sfence  }
0xbb: {  	s30 =	sld [smem:$0x0];
	_ =	sdelay $0x2  }
0xbc: {  	s31 =	sshll.u32 s1, $0xD;
	s1 =	sshrl.u32 s1, $0x2  }
0xbd: {  	s3 =	sand.u32 $0x4000, s31;
	s1 =	sadd.s32 s1, s30  }
0xbe: {  	s0 =	sor.u32 s3, s0;
	s1 =	sshll.u32 s1, $0x11  }
0xbf: {  	s0 =	sor.u32 s1, s0  }
0xc0: {  	s0 =	sadd.s32 $0x8F2B, s0  }
0xc1: {  	[sflag:s0] =	ssyncadd.remote.s32 $0x1  }
0xc2: {  	_ =	sfence.sel $0xFFFF  }
0xc3: {  	[dreg:$0x0] =	wrdreg $0xFFFFFFFF;
	(pc) =	sbr.abs _section_cstart, $3  }
0xc4: {  	[dreg:$0x1] =	wrdreg $0xFFFFFFFF  }
0xc5: {  	_ =	task.clear_ibuf [dreg:s9], $0x2FFFF;
	_ =	strace $0x9FFFFFFF  }
0xc6: {  	(tm) =	ssettm $0x7FFFFFFF  }
0xc7: {  	_ =	shalt  }
tec
execute0_lowered:
.L_overlay_start_1:
0x0: {  	(tag) =	ssettag $0x1  }
0x1: {  	s5 =	rddreg [dreg:$0x0]  }
0x2: {  	s1 =	rddreg [dreg:$0x1]  }
0x3: {  	s3 =	rddreg [dreg:$0x2];
	s2 =	srdreg.scid  }
0x4: {  	s0 =	stileid.u32;
	s6 =	rddreg [dreg:$0x3]  }
0x5: {  	s4 =	simm.s32 $0x0;
	s14 =	simm.s32 $0xC800;
	s15 =	simm.s32 $0x5  }
0x6: {  	s16 =	simm.s32 $0xC880;
	s17 =	simm.s32 $0x6400;
	s18 =	simm.s32 $0x1  }
0x7: {  	s19 =	simm.s32 $0x3;
	s20 =	simm.s32 $0x2;
	s22 =	simm.s32 $0x0  }
0x8: {  	s7 =	sand.u32 $0x1, s2;
	s8 =	sshll.u32 s0, $0x1;
	s2 =	rddreg [dreg:$0x4]  }
0x9: {  	[smem:$0x7FF] =	sst s4;
	s9 =	sadd.s32 $0x400, s6;
	s21 =	sor.u32 s7, s8  }
0xa: {  	_ =	strace $0x80000047;
	s30 =	ssub.s32 $0x2, s7;
	s8 =	smul.u32 $0x6400, s21  }
0xb: {  	s7 =	sshrl.u32 s30, $0x1;
	s31 =	smul.u32 $0xC80, s21;
	p0 =	sgt.u32 s21, $0x1C  }
.Ltmp0:
0xc: {  	s21 =	simm.s32 $0x4;
	s10 =	sshrl.u32 s8, $0x3;
	(pc) =	sbr.rel .LBB2_1-.Ltmp0, $4  }
0xd: {  	s13 =	ssub.s32 s30, s7;
	s7 =	sadd.s32 s9, s31;
	s11 =	sadd.s32 s5, s10  }
0xe: {  	s12 =	sadd.s32 s9, s10;
	s5 =	sadd.s32 $0x124F80, s11;
	s6 =	sadd.s32 $0x13DF80, s11  }
0xf: {  	s13 =	smax.u32 s13, $0x1;
	s8 =	sadd.s32 $0x156F80, s11;
	s9 =	sadd.s32 $0x19000, s12  }
0x10: {  	s10 =	sadd.s32 $0x32000, s12;
	s11 =	sadd.s32 $0x16FF80, s11;
	s12 =	sadd.s32 $0x4B000, s12  }
.LBB2_10:
0x11: {  	v12 =	vmax.f32 v22, $0.0e+00;
	v11 =	vmul.f32 v20, v11;
	v13 =	vld [tilespmem:s23+$0x70]  }
0x12: {  	v63 =	vmax.f32 v21, $0.0e+00;
	v9 =	vmul.f32 v19, v9;
	v12 =	vmul.f32 v12, v15  }
0x13: {  	v7 =	vmul.f32 v18, v7;
	v14 =	vmul.f32 v63, v14;
	v11 =	vmax.f32 v11, $0.0e+00  }
0x14: {  	v5 =	vmul.f32 v17, v5;
	v9 =	vmax.f32 v9, $0.0e+00;
	[tilespmem:s23+$0x0] =	vst v12;
	v10 =	vmul.f32 v11, v10  }
0x15: {  	v3 =	vmul.f32 v16, v3;
	v7 =	vmax.f32 v7, $0.0e+00;
	[tilespmem:s23+$0x10] =	vst v14;
	v8 =	vmul.f32 v9, v8  }
0x16: {  	v5 =	vmax.f32 v5, $0.0e+00;
	v6 =	vmul.f32 v7, v6;
	[tilespmem:s23+$0x20] =	vst v10;
	v0 =	vmul.f32 v13, v0  }
0x17: {  	v3 =	vmax.f32 v3, $0.0e+00;
	v4 =	vmul.f32 v5, v4;
	[tilespmem:s23+$0x30] =	vst v8  }
0x18: {  	v2 =	vmul.f32 v3, v2;
	[tilespmem:s23+$0x40] =	vst v6;
	v0 =	vmax.f32 v0, $0.0e+00  }
0x19: {  	[tilespmem:s23+$0x50] =	vst v4;
	v0 =	vmul.f32 v0, v1  }
0x1a: {  	[tilespmem:s23+$0x60] =	vst v2  }
0x1b: {  	[tilespmem:s23+$0x70] =	vst v0  }
0x1c: {  	[hbm4b:s12+s4] =	stream.linear.scatter [tilespmem:s4], [sflag:$0x3], $0x6400, $0x38;
	[tilespmem:$0xC900] =	vst v63  }
0x1d: {  	_ =	swait.ge [sflag:s19], $0x6400  }
0x1e: {  	[sflag:s19] =	ssyncset.done $0x0  }
0x1f: {  	[sflag:s19] =	ssyncadd.s32 $0xFFFF9C00  }
.LBB2_11:
0x20: {  	s22 =	sadd.s32 $0x1, s22  }
0x21: {  	p1 =	sne.s32 s22, s13  }
.Ltmp1:
0x22: {  	_ = 	snop;
	(pc) =	sbr.rel @!p1 .LBB2_12-.Ltmp1, $1  }
0x23: {  	_ =	sdelay $0x3  }
.LBB2_1:
0x24: {  	[tilespmem:s14], [sflag:$0x5] =	stream.linear.gather [hbm4b:s1+s4], $0x80, $0x38;
	[tilespmem:$0xC900] =	vst v63  }
0x25: {  	_ =	swait.ge [sflag:s15], $0x80  }
0x26: {  	[sflag:s15] =	ssyncset.done $0x0  }
0x27: {  	[sflag:s15] =	ssyncadd.s32 $0xFFFFFF80  }
0x28: {  	[tilespmem:s16], [sflag:$0x5] =	stream.linear.gather [hbm4b:s3+s4], $0x80, $0x38;
	[tilespmem:$0xC900] =	vst v63  }
0x29: {  	_ =	swait.ge [sflag:s15], $0x80  }
0x2a: {  	[sflag:s15] =	ssyncset.done $0x0  }
0x2b: {  	[sflag:s15] =	ssyncadd.s32 $0xFFFFFF80  }
0x2c: {  	v12 =	vld [tilespmem:$0xC800]  }
0x2d: {  	v13 =	vld [tilespmem:$0xC810]  }
0x2e: {  	v11 =	vld [tilespmem:$0xC820]  }
0x2f: {  	v9 =	vld [tilespmem:$0xC830]  }
0x30: {  	v7 =	vld [tilespmem:$0xC840]  }
0x31: {  	v5 =	vld [tilespmem:$0xC850]  }
0x32: {  	v3 =	vld [tilespmem:$0xC860]  }
0x33: {  	v0 =	vld [tilespmem:$0xC870]  }
0x34: {  	v15 =	vld [tilespmem:$0xC880]  }
0x35: {  	v14 =	vld [tilespmem:$0xC890]  }
0x36: {  	v10 =	vld [tilespmem:$0xC8A0]  }
0x37: {  	v8 =	vld [tilespmem:$0xC8B0]  }
0x38: {  	v6 =	vld [tilespmem:$0xC8C0]  }
0x39: {  	v4 =	vld [tilespmem:$0xC8D0]  }
0x3a: {  	v2 =	vld [tilespmem:$0xC8E0]  }
0x3b: {  	v1 =	vld [tilespmem:$0xC8F0];
	[tilespmem:s4], [sflag:$0x1] =	stream.linear.gather [hbm4b:s5+s4], $0x6400, $0x38  }
0x3c: {  	_ = 	snop  }
0x3d: {  	[tilespmem:s17], [sflag:$0x2] =	stream.linear.gather [hbm4b:s6+s4], $0x6400, $0x38;
	[tilespmem:$0xC900] =	vst v63  }
0x3e: {  	_ =	swait.ge [sflag:s18], $0x6400  }
0x3f: {  	[sflag:s18] =	ssyncset.done $0x0  }
0x40: {  	s23 =	simm.s32 $0x0;
	[sflag:s18] =	ssyncadd.s32 $0xFFFF9C00  }
0x41: {  	v16 =	vld [tilespmem:s23+$0x0]  }
0x42: {  	v21 =	vld [tilespmem:s23+$0x10]  }
0x43: {  	v20 =	vld [tilespmem:s23+$0x20]  }
0x44: {  	v19 =	vld [tilespmem:s23+$0x30]  }
0x45: {  	v18 =	vld [tilespmem:s23+$0x40]  }
0x46: {  	v17 =	vld [tilespmem:s23+$0x50];
	v22 =	vmul.f32 v16, v12  }
0x47: {  	s24 =	simm.s32 $0x200;
	v21 =	vmul.f32 v21, v13;
	v16 =	vld [tilespmem:s23+$0x60]  }
.LBB2_2:
0x48: {  	p1 =	sne.s32 s24, $0x18E00;
	v22 =	vmax.f32 v22, $0.0e+00;
	v20 =	vmul.f32 v20, v11;
	v23 =	vld [tilespmem:s23+$0x70]  }
0x49: {  	v22 =	vmul.f32 v22, v15;
	v21 =	vmax.f32 v21, $0.0e+00;
	v19 =	vmul.f32 v19, v9  }
0x4a: {  	v21 =	vmul.f32 v21, v14;
	v20 =	vmax.f32 v20, $0.0e+00;
	v18 =	vmul.f32 v18, v7  }
0x4b: {  	s25 =	sshra.s32 s24, $0x2;
	[tilespmem:s23+$0x0] =	vst v22;
	v20 =	vmul.f32 v20, v10;
	v19 =	vmax.f32 v19, $0.0e+00;
	v17 =	vmul.f32 v17, v5  }
0x4c: {  	v22 =	vld [tilespmem:s25+$0x0];
	[tilespmem:s23+$0x10] =	vst v21;
	v19 =	vmul.f32 v19, v8;
	v18 =	vmax.f32 v18, $0.0e+00;
	v16 =	vmul.f32 v16, v3  }
0x4d: {  	v21 =	vld [tilespmem:s25+$0x10];
	[tilespmem:s23+$0x20] =	vst v20;
	v18 =	vmul.f32 v18, v6;
	v17 =	vmax.f32 v17, $0.0e+00;
	v23 =	vmul.f32 v23, v0  }
.Ltmp2:
0x4e: {  	v20 =	vld [tilespmem:s25+$0x20];
	[tilespmem:s23+$0x30] =	vst v19;
	v17 =	vmul.f32 v17, v4;
	v16 =	vmax.f32 v16, $0.0e+00;
	(pc) =	sbr.rel @p1 .LBB2_2-.Ltmp2, $4  }
0x4f: {  	v19 =	vld [tilespmem:s25+$0x30];
	[tilespmem:s23+$0x40] =	vst v18;
	v16 =	vmul.f32 v16, v2;
	v23 =	vmax.f32 v23, $0.0e+00  }
0x50: {  	v18 =	vld [tilespmem:s25+$0x40];
	[tilespmem:s23+$0x50] =	vst v17;
	v23 =	vmul.f32 v23, v1  }
0x51: {  	v22 =	vmul.f32 v22, v12;
	v17 =	vld [tilespmem:s25+$0x50];
	[tilespmem:s23+$0x60] =	vst v16  }
0x52: {  	s24 =	sadd.s32 $0x200, s24;
	v21 =	vmul.f32 v21, v13;
	v16 =	vld [tilespmem:s25+$0x60];
	[tilespmem:s23+$0x70] =	vst v23;
	s23 =	smov.u32 s25  }
0x53: {  	v22 =	vmax.f32 v22, $0.0e+00;
	v20 =	vmul.f32 v20, v11;
	v23 =	vld [tilespmem:s23+$0x70]  }
0x54: {  	v22 =	vmul.f32 v22, v15;
	v21 =	vmax.f32 v21, $0.0e+00;
	v19 =	vmul.f32 v19, v9  }
0x55: {  	v21 =	vmul.f32 v21, v14;
	v20 =	vmax.f32 v20, $0.0e+00;
	v18 =	vmul.f32 v18, v7  }
0x56: {  	[tilespmem:s23+$0x0] =	vst v22;
	v20 =	vmul.f32 v20, v10;
	v19 =	vmax.f32 v19, $0.0e+00;
	v17 =	vmul.f32 v17, v5  }
0x57: {  	[tilespmem:s23+$0x10] =	vst v21;
	v19 =	vmul.f32 v19, v8;
	v18 =	vmax.f32 v18, $0.0e+00;
	v16 =	vmul.f32 v16, v3  }
0x58: {  	[tilespmem:s23+$0x20] =	vst v20;
	v18 =	vmul.f32 v18, v6;
	v17 =	vmax.f32 v17, $0.0e+00;
	v20 =	vmul.f32 v23, v0  }
0x59: {  	[tilespmem:s23+$0x30] =	vst v19;
	v17 =	vmul.f32 v17, v4;
	v16 =	vmax.f32 v16, $0.0e+00  }
0x5a: {  	[tilespmem:s23+$0x40] =	vst v18;
	v16 =	vmul.f32 v16, v2;
	v18 =	vmax.f32 v20, $0.0e+00  }
0x5b: {  	[tilespmem:s23+$0x50] =	vst v17;
	v17 =	vmul.f32 v18, v1  }
0x5c: {  	[tilespmem:s23+$0x60] =	vst v16  }
0x5d: {  	s31 =	simm.s32 $0x0;
	[tilespmem:s23+$0x70] =	vst v17  }
0x5e: {  	[hbm4b:s7+s31] =	stream.linear.scatter [tilespmem:s31], [sflag:$0x3], $0x6400, $0x38;
	[tilespmem:$0xC900] =	vst v63  }
0x5f: {  	_ =	swait.ge [sflag:s19], $0x6400  }
0x60: {  	[sflag:s19] =	ssyncset.done $0x0  }
0x61: {  	[sflag:s19] =	ssyncadd.s32 $0xFFFF9C00  }
0x62: {  	[tilespmem:s31], [sflag:$0x1] =	stream.linear.gather [hbm4b:s8+s31], $0x6400, $0x38;
	[tilespmem:$0xC900] =	vst v63  }
0x63: {  	_ =	swait.ge [sflag:s20], $0x6400  }
0x64: {  	[sflag:s20] =	ssyncset.done $0x0  }
0x65: {  	s23 =	simm.s32 $0x0;
	[sflag:s20] =	ssyncadd.s32 $0xFFFF9C00  }
0x66: {  	v16 =	vld [tilespmem:s23+$0x6400]  }
0x67: {  	v21 =	vld [tilespmem:s23+$0x6410]  }
0x68: {  	v20 =	vld [tilespmem:s23+$0x6420]  }
0x69: {  	v19 =	vld [tilespmem:s23+$0x6430]  }
0x6a: {  	v18 =	vld [tilespmem:s23+$0x6440]  }
0x6b: {  	v17 =	vld [tilespmem:s23+$0x6450];
	v22 =	vmul.f32 v16, v12  }
0x6c: {  	s24 =	simm.s32 $0x200;
	v21 =	vmul.f32 v21, v13;
	v16 =	vld [tilespmem:s23+$0x6460]  }
.LBB2_4:
0x6d: {  	p1 =	sne.s32 s24, $0x18E00;
	v22 =	vmax.f32 v22, $0.0e+00;
	v20 =	vmul.f32 v20, v11;
	v23 =	vld [tilespmem:s23+$0x6470]  }
0x6e: {  	v22 =	vmul.f32 v22, v15;
	v21 =	vmax.f32 v21, $0.0e+00;
	v19 =	vmul.f32 v19, v9  }
0x6f: {  	v21 =	vmul.f32 v21, v14;
	v20 =	vmax.f32 v20, $0.0e+00;
	v18 =	vmul.f32 v18, v7  }
0x70: {  	s25 =	sshra.s32 s24, $0x2;
	[tilespmem:s23+$0x6400] =	vst v22;
	v20 =	vmul.f32 v20, v10;
	v19 =	vmax.f32 v19, $0.0e+00;
	v17 =	vmul.f32 v17, v5  }
0x71: {  	v22 =	vld [tilespmem:s25+$0x6400];
	[tilespmem:s23+$0x6410] =	vst v21;
	v19 =	vmul.f32 v19, v8;
	v18 =	vmax.f32 v18, $0.0e+00;
	v16 =	vmul.f32 v16, v3  }
0x72: {  	v21 =	vld [tilespmem:s25+$0x6410];
	[tilespmem:s23+$0x6420] =	vst v20;
	v18 =	vmul.f32 v18, v6;
	v17 =	vmax.f32 v17, $0.0e+00;
	v23 =	vmul.f32 v23, v0  }
.Ltmp3:
0x73: {  	v20 =	vld [tilespmem:s25+$0x6420];
	[tilespmem:s23+$0x6430] =	vst v19;
	v17 =	vmul.f32 v17, v4;
	v16 =	vmax.f32 v16, $0.0e+00;
	(pc) =	sbr.rel @p1 .LBB2_4-.Ltmp3, $4  }
0x74: {  	v19 =	vld [tilespmem:s25+$0x6430];
	[tilespmem:s23+$0x6440] =	vst v18;
	v16 =	vmul.f32 v16, v2;
	v23 =	vmax.f32 v23, $0.0e+00  }
0x75: {  	v18 =	vld [tilespmem:s25+$0x6440];
	[tilespmem:s23+$0x6450] =	vst v17;
	v23 =	vmul.f32 v23, v1  }
0x76: {  	v22 =	vmul.f32 v22, v12;
	v17 =	vld [tilespmem:s25+$0x6450];
	[tilespmem:s23+$0x6460] =	vst v16  }
0x77: {  	s24 =	sadd.s32 $0x200, s24;
	v21 =	vmul.f32 v21, v13;
	v16 =	vld [tilespmem:s25+$0x6460];
	[tilespmem:s23+$0x6470] =	vst v23;
	s23 =	smov.u32 s25  }
0x78: {  	v22 =	vmax.f32 v22, $0.0e+00;
	v20 =	vmul.f32 v20, v11;
	v23 =	vld [tilespmem:s23+$0x6470]  }
0x79: {  	v22 =	vmul.f32 v22, v15;
	v21 =	vmax.f32 v21, $0.0e+00;
	v19 =	vmul.f32 v19, v9  }
0x7a: {  	v21 =	vmul.f32 v21, v14;
	v20 =	vmax.f32 v20, $0.0e+00;
	v18 =	vmul.f32 v18, v7  }
0x7b: {  	[tilespmem:s23+$0x6400] =	vst v22;
	v20 =	vmul.f32 v20, v10;
	v19 =	vmax.f32 v19, $0.0e+00;
	v17 =	vmul.f32 v17, v5  }
0x7c: {  	[tilespmem:s23+$0x6410] =	vst v21;
	v19 =	vmul.f32 v19, v8;
	v18 =	vmax.f32 v18, $0.0e+00;
	v16 =	vmul.f32 v16, v3  }
0x7d: {  	[tilespmem:s23+$0x6420] =	vst v20;
	v18 =	vmul.f32 v18, v6;
	v17 =	vmax.f32 v17, $0.0e+00;
	v20 =	vmul.f32 v23, v0  }
0x7e: {  	[tilespmem:s23+$0x6430] =	vst v19;
	v17 =	vmul.f32 v17, v4;
	v16 =	vmax.f32 v16, $0.0e+00  }
0x7f: {  	[tilespmem:s23+$0x6440] =	vst v18;
	v16 =	vmul.f32 v16, v2;
	v18 =	vmax.f32 v20, $0.0e+00  }
0x80: {  	[tilespmem:s23+$0x6450] =	vst v17;
	v17 =	vmul.f32 v18, v1  }
0x81: {  	[tilespmem:s23+$0x6460] =	vst v16  }
0x82: {  	s31 =	simm.s32 $0x0;
	[tilespmem:s23+$0x6470] =	vst v17  }
0x83: {  	[hbm4b:s9+s31] =	stream.linear.scatter [tilespmem:s17], [sflag:$0x4], $0x6400, $0x38;
	[tilespmem:$0xC900] =	vst v63  }
0x84: {  	_ =	swait.ge [sflag:s18], $0x6400  }
0x85: {  	[sflag:s18] =	ssyncset.done $0x0  }
0x86: {  	s23 =	simm.s32 $0x0;
	[sflag:s18] =	ssyncadd.s32 $0xFFFF9C00  }
0x87: {  	v16 =	vld [tilespmem:s23+$0x0]  }
0x88: {  	v21 =	vld [tilespmem:s23+$0x10]  }
0x89: {  	v20 =	vld [tilespmem:s23+$0x20]  }
0x8a: {  	v19 =	vld [tilespmem:s23+$0x30]  }
0x8b: {  	v18 =	vld [tilespmem:s23+$0x40]  }
0x8c: {  	v17 =	vld [tilespmem:s23+$0x50];
	v22 =	vmul.f32 v16, v12  }
0x8d: {  	s24 =	simm.s32 $0x200;
	v21 =	vmul.f32 v21, v13;
	v16 =	vld [tilespmem:s23+$0x60]  }
.LBB2_6:
0x8e: {  	p1 =	sne.s32 s24, $0x18E00;
	v22 =	vmax.f32 v22, $0.0e+00;
	v20 =	vmul.f32 v20, v11;
	v23 =	vld [tilespmem:s23+$0x70]  }
0x8f: {  	v22 =	vmul.f32 v22, v15;
	v21 =	vmax.f32 v21, $0.0e+00;
	v19 =	vmul.f32 v19, v9  }
0x90: {  	v21 =	vmul.f32 v21, v14;
	v20 =	vmax.f32 v20, $0.0e+00;
	v18 =	vmul.f32 v18, v7  }
0x91: {  	s25 =	sshra.s32 s24, $0x2;
	[tilespmem:s23+$0x0] =	vst v22;
	v20 =	vmul.f32 v20, v10;
	v19 =	vmax.f32 v19, $0.0e+00;
	v17 =	vmul.f32 v17, v5  }
0x92: {  	v22 =	vld [tilespmem:s25+$0x0];
	[tilespmem:s23+$0x10] =	vst v21;
	v19 =	vmul.f32 v19, v8;
	v18 =	vmax.f32 v18, $0.0e+00;
	v16 =	vmul.f32 v16, v3  }
0x93: {  	v21 =	vld [tilespmem:s25+$0x10];
	[tilespmem:s23+$0x20] =	vst v20;
	v18 =	vmul.f32 v18, v6;
	v17 =	vmax.f32 v17, $0.0e+00;
	v23 =	vmul.f32 v23, v0  }
.Ltmp4:
0x94: {  	v20 =	vld [tilespmem:s25+$0x20];
	[tilespmem:s23+$0x30] =	vst v19;
	v17 =	vmul.f32 v17, v4;
	v16 =	vmax.f32 v16, $0.0e+00;
	(pc) =	sbr.rel @p1 .LBB2_6-.Ltmp4, $4  }
0x95: {  	v19 =	vld [tilespmem:s25+$0x30];
	[tilespmem:s23+$0x40] =	vst v18;
	v16 =	vmul.f32 v16, v2;
	v23 =	vmax.f32 v23, $0.0e+00  }
0x96: {  	v18 =	vld [tilespmem:s25+$0x40];
	[tilespmem:s23+$0x50] =	vst v17;
	v23 =	vmul.f32 v23, v1  }
0x97: {  	v22 =	vmul.f32 v22, v12;
	v17 =	vld [tilespmem:s25+$0x50];
	[tilespmem:s23+$0x60] =	vst v16  }
0x98: {  	s24 =	sadd.s32 $0x200, s24;
	v21 =	vmul.f32 v21, v13;
	v16 =	vld [tilespmem:s25+$0x60];
	[tilespmem:s23+$0x70] =	vst v23;
	s23 =	smov.u32 s25  }
0x99: {  	v22 =	vmax.f32 v22, $0.0e+00;
	v20 =	vmul.f32 v20, v11;
	v23 =	vld [tilespmem:s23+$0x70]  }
0x9a: {  	v22 =	vmul.f32 v22, v15;
	v21 =	vmax.f32 v21, $0.0e+00;
	v19 =	vmul.f32 v19, v9  }
0x9b: {  	v21 =	vmul.f32 v21, v14;
	v20 =	vmax.f32 v20, $0.0e+00;
	v18 =	vmul.f32 v18, v7  }
0x9c: {  	[tilespmem:s23+$0x0] =	vst v22;
	v20 =	vmul.f32 v20, v10;
	v19 =	vmax.f32 v19, $0.0e+00;
	v17 =	vmul.f32 v17, v5  }
0x9d: {  	[tilespmem:s23+$0x10] =	vst v21;
	v19 =	vmul.f32 v19, v8;
	v18 =	vmax.f32 v18, $0.0e+00;
	v16 =	vmul.f32 v16, v3  }
0x9e: {  	[tilespmem:s23+$0x20] =	vst v20;
	v18 =	vmul.f32 v18, v6;
	v17 =	vmax.f32 v17, $0.0e+00;
	v62 =	vmul.f32 v23, v0  }
0x9f: {  	[tilespmem:s23+$0x30] =	vst v19;
	v17 =	vmul.f32 v17, v4;
	v16 =	vmax.f32 v16, $0.0e+00  }
0xa0: {  	[tilespmem:s23+$0x40] =	vst v18;
	v16 =	vmul.f32 v16, v2;
	v63 =	vmax.f32 v62, $0.0e+00  }
0xa1: {  	[tilespmem:s23+$0x50] =	vst v17;
	v17 =	vmul.f32 v63, v1  }
0xa2: {  	[tilespmem:s23+$0x60] =	vst v16  }
0xa3: {  	[tilespmem:s23+$0x70] =	vst v17  }
0xa4: {  	[hbm4b:s10+s4] =	stream.linear.scatter [tilespmem:s4], [sflag:$0x3], $0x6400, $0x38;
	[tilespmem:$0xC900] =	vst v63  }
0xa5: {  	_ =	swait.ge [sflag:s21], $0x6400  }
.Ltmp5:
0xa6: {  	[sflag:s21] =	ssyncset.done $0x0;
	(pc) =	sbr.rel @p0 .LBB2_11-.Ltmp5, $4  }
0xa7: {  	[sflag:s21] =	ssyncadd.s32 $0xFFFF9C00  }
0xa8: {  	_ =	swait.ge [sflag:s19], $0x6400  }
0xa9: {  	[sflag:s19] =	ssyncset.done $0x0  }
0xaa: {  	[sflag:s19] =	ssyncadd.s32 $0xFFFF9C00  }
0xab: {  	s23 =	simm.s32 $0x0  }
0xac: {  	[tilespmem:s23], [sflag:$0x1] =	stream.linear.gather [hbm4b:s11+s23], $0x6400, $0x38;
	[tilespmem:$0xC900] =	vst v63  }
0xad: {  	_ =	swait.ge [sflag:s18], $0x6400  }
0xae: {  	[sflag:s18] =	ssyncset.done $0x0  }
0xaf: {  	s23 =	simm.s32 $0x0;
	[sflag:s18] =	ssyncadd.s32 $0xFFFF9C00  }
0xb0: {  	v16 =	vld [tilespmem:s23+$0x0]  }
0xb1: {  	v21 =	vld [tilespmem:s23+$0x10]  }
0xb2: {  	v20 =	vld [tilespmem:s23+$0x20]  }
0xb3: {  	v19 =	vld [tilespmem:s23+$0x30]  }
0xb4: {  	v18 =	vld [tilespmem:s23+$0x40]  }
0xb5: {  	v17 =	vld [tilespmem:s23+$0x50];
	v22 =	vmul.f32 v16, v12  }
0xb6: {  	s24 =	simm.s32 $0x200;
	v21 =	vmul.f32 v21, v13;
	v16 =	vld [tilespmem:s23+$0x60]  }
.LBB2_9:
0xb7: {  	p1 =	sne.s32 s24, $0x18E00;
	v22 =	vmax.f32 v22, $0.0e+00;
	v20 =	vmul.f32 v20, v11;
	v23 =	vld [tilespmem:s23+$0x70]  }
0xb8: {  	v21 =	vmax.f32 v21, $0.0e+00;
	v19 =	vmul.f32 v19, v9;
	v22 =	vmul.f32 v22, v15  }
0xb9: {  	v18 =	vmul.f32 v18, v7;
	v21 =	vmul.f32 v21, v14;
	v20 =	vmax.f32 v20, $0.0e+00  }
0xba: {  	s25 =	sshra.s32 s24, $0x2;
	v17 =	vmul.f32 v17, v5;
	v19 =	vmax.f32 v19, $0.0e+00;
	[tilespmem:s23+$0x0] =	vst v22;
	v20 =	vmul.f32 v20, v10  }
0xbb: {  	v16 =	vmul.f32 v16, v3;
	v18 =	vmax.f32 v18, $0.0e+00;
	v19 =	vmul.f32 v19, v8;
	v22 =	vld [tilespmem:s25+$0x0];
	[tilespmem:s23+$0x10] =	vst v21  }
0xbc: {  	v17 =	vmax.f32 v17, $0.0e+00;
	v18 =	vmul.f32 v18, v6;
	v21 =	vld [tilespmem:s25+$0x10];
	[tilespmem:s23+$0x20] =	vst v20;
	v23 =	vmul.f32 v23, v0  }
.Ltmp6:
0xbd: {  	v16 =	vmax.f32 v16, $0.0e+00;
	v17 =	vmul.f32 v17, v4;
	v20 =	vld [tilespmem:s25+$0x20];
	[tilespmem:s23+$0x30] =	vst v19;
	(pc) =	sbr.rel @p1 .LBB2_9-.Ltmp6, $4  }
0xbe: {  	v16 =	vmul.f32 v16, v2;
	v19 =	vld [tilespmem:s25+$0x30];
	[tilespmem:s23+$0x40] =	vst v18;
	v23 =	vmax.f32 v23, $0.0e+00  }
0xbf: {  	v18 =	vld [tilespmem:s25+$0x40];
	[tilespmem:s23+$0x50] =	vst v17;
	v23 =	vmul.f32 v23, v1  }
0xc0: {  	v22 =	vmul.f32 v22, v12;
	v17 =	vld [tilespmem:s25+$0x50];
	[tilespmem:s23+$0x60] =	vst v16  }
0xc1: {  	s24 =	sadd.s32 $0x200, s24;
	v21 =	vmul.f32 v21, v13;
	v16 =	vld [tilespmem:s25+$0x60];
	[tilespmem:s23+$0x70] =	vst v23;
	s23 =	smov.u32 s25  }
.Ltmp7:
0xc2: {  	_ = 	snop;
	(pc) =	sbr.rel .LBB2_10-.Ltmp7, $1  }
0xc3: {  	_ =	sdelay $0x3  }
.LBB2_12:
0xc4: {  	_ =	sfence.sel $0x180000  }
0xc5: {  	[bflag:$0x0] =	sbarrier.arrive $0xFFFF  }
0xc6: {  	p0 =	sne.s32 s0, $0x0;
	_ =	strace $0x90000047  }
0xc7: {  	s0 =	sadd.s32 @!p0 $0x100000, s2;
	[bflag:$0x2] =	sbarrier.arrive $0xFFFF  }
0xc8: {  	[sflag:s0] =	ssyncadd.tile.s32 @!p0 $0x1;
	_ =	shalt  }
.Lfunc_end2:
_tile_overlayer_lowered:
.L_overlay_start_2:
0xc9: {  	(tag) =	ssettag $0x2  }
0xca: {  	s0 =	rddreg [dreg:$0x0];
	s2 =	stileid.u32  }
0xcb: {  	s1 =	rddreg [dreg:$0x1];
	p0 =	sne.s32 s2, $0x0  }
0xcc: {  	s3 =	rddreg [dreg:$0x2];
	[bflag:$0x3] =	sbarrier.arrive $0xFFFF;
	s2 =	simm.s32 @!p0 $0x1C05  }
0xcd: {  	[timem:s3], [sflag:s2] =	dma.local @!p0 [hbm:s0], s1  }
0xce: {  	s0 =	simm.s32 @!p0 $0x5  }
0xcf: {  	_ =	swait.ge @!p0 [sflag:s0], s1  }
0xd0: {  	s1 =	ssub.s32 @!p0 $0x0, s1;
	[sflag:s0] =	ssyncset.done @!p0 $0x0  }
0xd1: {  	[sflag:s0] =	ssyncadd.s32 @!p0 s1  }
0xd2: {  	[bflag:$0x3] =	sbarrier.arrive $0xFFFF  }
0xd3: {  	_ =	shalt  }

</sc_bundles>
